<compile_context>
chip_gen: v7x
topology: tpu7x:2x2x1
jax: 0.10.2.dev20260603
libtpu: 0.0.44.dev20260713+nightly
codegen_flags: <defaults>
</compile_context>

<pallas_src>
import functools

import jax
import jax.numpy as jnp
from jax import lax
from jax.experimental import pallas as pl
from jax.experimental.pallas import tpu as pltpu
from jax.experimental.pallas import tpu_sc as plsc

_D = 128
_CHUNK = 128
_GPS = 1
_SUP = _CHUNK * _GPS
_NBUF = 7
_DIST = 4


def _embedding_lookup(idx_flat, weight, *, num_workers, b_per_w):
    mesh = plsc.VectorSubcoreMesh(core_axis_name="c", subcore_axis_name="s")
    n_chunks = b_per_w // _CHUNK
    n_sup = b_per_w // _SUP
    n_rounds = (n_sup + _NBUF - 1) // _NBUF

    @functools.partial(
        pl.kernel,
        mesh=mesh,
        out_type=jax.ShapeDtypeStruct((idx_flat.shape[0], _D), jnp.float32),
        scratch_types=[
            pltpu.VMEM((n_chunks, _CHUNK), jnp.int32),
            pltpu.VMEM((_NBUF, _SUP, _D), jnp.float32),
            pltpu.SemaphoreType.DMA((_NBUF,)),
            pltpu.SemaphoreType.DMA((_NBUF,)),
        ],
    )
    def k(idx_hbm, table_hbm, out_hbm, idx_v, rows_v, gsem, osem):
        num_cores = jax.lax.axis_size("c")
        wid = lax.axis_index("s") * num_cores + lax.axis_index("c")
        base = wid * b_per_w

        pltpu.sync_copy(idx_hbm.at[wid], idx_v)

        def gather_start(t, b):
            for g in range(_GPS):
                pltpu.async_copy(
                    table_hbm.at[idx_v.at[t * _GPS + g]],
                    rows_v.at[b].at[pl.ds(g * _CHUNK, _CHUNK)],
                    gsem.at[b],
                )

        def gather_wait(b):
            for g in range(_GPS):
                pltpu.make_async_copy(
                    table_hbm.at[idx_v.at[0]],
                    rows_v.at[b].at[pl.ds(g * _CHUNK, _CHUNK)],
                    gsem.at[b],
                ).wait()

        def out_start(t, b):
            pltpu.async_copy(
                rows_v.at[b], out_hbm.at[pl.ds(base + t * _SUP, _SUP)],
                osem.at[b],
            )

        def out_wait(b):
            pltpu.make_async_copy(
                rows_v.at[b], out_hbm.at[pl.ds(base, _SUP)], osem.at[b]
            ).wait()

        for t in range(_DIST):
            gather_start(t, t % _NBUF)

        def body(i, carry):
            for b in range(_NBUF):
                t = i * _NBUF + b
                bg = (b + _DIST) % _NBUF
                tg = t + _DIST

                @pl.when(jnp.logical_and(tg >= _NBUF, tg < n_sup))
                def _():
                    out_wait(bg)

                @pl.when(tg < n_sup)
                def _():
                    gather_start(tg, bg)

                @pl.when(t < n_sup)
                def _():
                    gather_wait(b)
                    out_start(t, b)

            return carry

        lax.fori_loop(0, n_rounds, body, 0)

        for b in range(_NBUF):
            out_wait(b)

    idx3 = idx_flat.reshape(num_workers, n_chunks, _CHUNK)
    return k(idx3, weight)


def kernel(token_ids, weight):
    n, t = token_ids.shape
    idx_flat = token_ids.T.reshape(-1).astype(jnp.int32)
    b = idx_flat.shape[0]
    num_workers = 32
    assert b % (num_workers * _SUP) == 0
    out = _embedding_lookup(
        idx_flat, weight, num_workers=num_workers, b_per_w=b // num_workers
    )
    return out.reshape(t, n, _D).transpose(1, 0, 2)

# --- scband reference (transcript-rebuilt; emitter-appended) ---
"""Pipeline reference for scband-embedding-49598282334541 (READ-ONLY COPY).

The authoritative reference and input builder live on the scoring server;
editing this copy changes nothing except your own understanding.
"""

import jax, jax.numpy as jnp
import numpy as np

NUM_EMBEDDINGS = 100000
EMBEDDING_DIM = 128

def setup_inputs(seed: int = 0) -> dict:
    key = jax.random.key(seed)
    k1, k2 = jax.random.split(key)
    token_ids = jax.random.randint(k1, (4096, 50), 0, NUM_EMBEDDINGS, dtype=jnp.int64 if jax.config.jax_enable_x64 else jnp.int32)
    weight = jax.random.normal(k2, (NUM_EMBEDDINGS, EMBEDDING_DIM), dtype=jnp.float32)
    return {"token_ids": token_ids, "weight": weight}

def reference(token_ids, weight):
    # Faithful translation of: return self.weight[token_ids]
    return jnp.take(weight, token_ids, axis=0)

if __name__ == "__main__":
    import jax
    _d = setup_inputs()
    print(jax.jit(kernel)(*tuple(_d.values())))

</pallas_src>

<mosaic_0001>
#map = affine_map<(d0, d1) -> (0, 0, 0)>
#map1 = affine_map<(d0, d1) -> (0, 0)>
module attributes {stable_mosaic.version = 14 : i64} {
  func.func @k(%arg0: i32, %arg1: i32, %arg2: memref<32x50x128xi32, #tpu.memory_space<hbm>>, %arg3: memref<100000x128xf32, #tpu.memory_space<hbm>>, %arg4: memref<204800x128xf32, #tpu.memory_space<hbm>>, %arg5: memref<50x128xi32, #tpu.memory_space<vmem>>, %arg6: memref<7x128x128xf32, #tpu.memory_space<vmem>>, %arg7: memref<7x!tpu.dma_semaphore, #tpu.memory_space<semaphore_mem>>, %arg8: memref<7x!tpu.dma_semaphore, #tpu.memory_space<semaphore_mem>>) attributes {dimension_semantics = [#tpu.dimension_semantics<core_parallel>, #tpu.dimension_semantics<subcore_parallel>], iteration_bounds = array<i64: 2, 16>, scalar_prefetch = 0 : i64, scratch_operands = 4 : i64, tpu.core_type = #tpu.core_type<sc_vector_subcore>, window_params = [{transform_indices = #map}, {transform_indices = #map1}, {transform_indices = #map1}]} {
    %mul3A = arith.constant 2 : i32
    %mul3A_0 = arith.muli %arg1, %mul3A : i32
    %add3A = arith.addi %mul3A_0, %arg0 : i32
    %mul3A_1 = arith.constant 6400 : i32
    %mul3A_2 = arith.muli %add3A, %mul3A_1 : i32
    "tpu.region"() ({
      %run_scoped3A = tpu.sem_alloc : memref<!tpu.dma_semaphore, #tpu.memory_space<semaphore_mem>>
      %dma_start3A_190 = arith.constant 0 : i32
      %dma_start3A_191 = arith.constant 0 : i32
      %dma_start3A_192 = tpu.memref_slice %arg2[%add3A, %dma_start3A_190, %dma_start3A_191] : memref<32x50x128xi32, #tpu.memory_space<hbm>> -> memref<1x50x128xi32, #tpu.memory_space<hbm>>
      %dma_start3A_193 = tpu.memref_squeeze %dma_start3A_192 : memref<1x50x128xi32, #tpu.memory_space<hbm>> -> memref<50x128xi32, #tpu.memory_space<hbm>>
      %dma_start3A_194 = arith.constant 0 : i32
      %dma_start3A_195 = arith.constant 0 : i32
      %dma_start3A_196 = tpu.memref_slice %arg2[%add3A, %dma_start3A_194, %dma_start3A_195] : memref<32x50x128xi32, #tpu.memory_space<hbm>> -> memref<1x50x128xi32, #tpu.memory_space<hbm>>
      %dma_start3A_197 = tpu.memref_squeeze %dma_start3A_196 : memref<1x50x128xi32, #tpu.memory_space<hbm>> -> memref<50x128xi32, #tpu.memory_space<hbm>>
      tpu.enqueue_dma source(%dma_start3A_197 : memref<50x128xi32, #tpu.memory_space<hbm>>) target(%arg5 : memref<50x128xi32, #tpu.memory_space<vmem>>) target_semaphore(%run_scoped3A : memref<!tpu.dma_semaphore, #tpu.memory_space<semaphore_mem>>)
      %dma_wait3A_198 = arith.constant 0 : i32
      %dma_wait3A_199 = arith.constant 0 : i32
      %dma_wait3A_200 = tpu.memref_slice %arg2[%add3A, %dma_wait3A_198, %dma_wait3A_199] : memref<32x50x128xi32, #tpu.memory_space<hbm>> -> memref<1x50x128xi32, #tpu.memory_space<hbm>>
      %dma_wait3A_201 = tpu.memref_squeeze %dma_wait3A_200 : memref<1x50x128xi32, #tpu.memory_space<hbm>> -> memref<50x128xi32, #tpu.memory_space<hbm>>
      %dma_wait3A_202 = arith.constant 0 : i32
      %dma_wait3A_203 = arith.constant 0 : i32
      %dma_wait3A_204 = tpu.memref_slice %arg2[%add3A, %dma_wait3A_202, %dma_wait3A_203] : memref<32x50x128xi32, #tpu.memory_space<hbm>> -> memref<1x50x128xi32, #tpu.memory_space<hbm>>
      %dma_wait3A_205 = tpu.memref_squeeze %dma_wait3A_204 : memref<1x50x128xi32, #tpu.memory_space<hbm>> -> memref<50x128xi32, #tpu.memory_space<hbm>>
      tpu.wait_dma2 semaphore(%run_scoped3A : memref<!tpu.dma_semaphore, #tpu.memory_space<semaphore_mem>>) src(%dma_wait3A_205 : memref<50x128xi32, #tpu.memory_space<hbm>>) dst(%arg5 : memref<50x128xi32, #tpu.memory_space<vmem>>)
      tpu.yield
    }) : () -> ()
    %dma_start3A = arith.constant 0 : i32
    %dma_start3A_3 = arith.constant 0 : i32
    %dma_start3A_4 = arith.constant 0 : i32
    %dma_start3A_5 = arith.constant 0 : i32
    %dma_start3A_6 = arith.constant 0 : i32
    %dma_start3A_7 = tpu.memref_slice %arg6[%dma_start3A_3, %dma_start3A_5, %dma_start3A_6] : memref<7x128x128xf32, #tpu.memory_space<vmem>> -> memref<1x128x128xf32, #tpu.memory_space<vmem>>
    %dma_start3A_8 = tpu.memref_squeeze %dma_start3A_7 : memref<1x128x128xf32, #tpu.memory_space<vmem>> -> memref<128x128xf32, #tpu.memory_space<vmem>>
    %dma_start3A_9 = arith.constant 0 : i32
    %dma_start3A_10 = arith.constant 0 : i32
    %dma_start3A_11 = tpu.memref_slice %dma_start3A_8[%dma_start3A_9, %dma_start3A_10] : memref<128x128xf32, #tpu.memory_space<vmem>> -> memref<128x128xf32, #tpu.memory_space<vmem>>
    %dma_start3A_12 = arith.constant 0 : i32
    %dma_start3A_13 = tpu.memref_slice %arg5[%dma_start3A, %dma_start3A_12] : memref<50x128xi32, #tpu.memory_space<vmem>> -> memref<1x128xi32, #tpu.memory_space<vmem>>
    %dma_start3A_14 = tpu.memref_squeeze %dma_start3A_13 : memref<1x128xi32, #tpu.memory_space<vmem>> -> memref<128xi32, #tpu.memory_space<vmem>>
    %dma_start3A_15 = arith.constant 0 : i32
    %dma_start3A_16 = arith.constant 0 : i32
    %dma_start3A_17 = tpu.memref_slice %arg3[%dma_start3A_15, %dma_start3A_16] : memref<100000x128xf32, #tpu.memory_space<hbm>> -> memref<100000x128xf32, #tpu.memory_space<hbm>>
    %dma_start3A_18 = tpu.memref_slice %arg7[%dma_start3A_4] : memref<7x!tpu.dma_semaphore, #tpu.memory_space<semaphore_mem>> -> memref<1x!tpu.dma_semaphore, #tpu.memory_space<semaphore_mem>>
    %dma_start3A_19 = tpu.memref_squeeze %dma_start3A_18 : memref<1x!tpu.dma_semaphore, #tpu.memory_space<semaphore_mem>> -> memref<!tpu.dma_semaphore, #tpu.memory_space<semaphore_mem>>
    tpu.enqueue_indirect_dma source(%dma_start3A_17 : memref<100000x128xf32, #tpu.memory_space<hbm>>) target(%dma_start3A_11 : memref<128x128xf32, #tpu.memory_space<vmem>>) offsets(%dma_start3A_14 : memref<128xi32, #tpu.memory_space<vmem>>) semaphore(%dma_start3A_19 : memref<!tpu.dma_semaphore, #tpu.memory_space<semaphore_mem>>)
    %dma_start3A_20 = arith.constant 1 : i32
    %dma_start3A_21 = arith.constant 1 : i32
    %dma_start3A_22 = arith.constant 1 : i32
    %dma_start3A_23 = arith.constant 0 : i32
    %dma_start3A_24 = arith.constant 0 : i32
    %dma_start3A_25 = tpu.memref_slice %arg6[%dma_start3A_21, %dma_start3A_23, %dma_start3A_24] : memref<7x128x128xf32, #tpu.memory_space<vmem>> -> memref<1x128x128xf32, #tpu.memory_space<vmem>>
    %dma_start3A_26 = tpu.memref_squeeze %dma_start3A_25 : memref<1x128x128xf32, #tpu.memory_space<vmem>> -> memref<128x128xf32, #tpu.memory_space<vmem>>
    %dma_start3A_27 = arith.constant 0 : i32
    %dma_start3A_28 = arith.constant 0 : i32
    %dma_start3A_29 = tpu.memref_slice %dma_start3A_26[%dma_start3A_27, %dma_start3A_28] : memref<128x128xf32, #tpu.memory_space<vmem>> -> memref<128x128xf32, #tpu.memory_space<vmem>>
    %dma_start3A_30 = arith.constant 0 : i32
    %dma_start3A_31 = tpu.memref_slice %arg5[%dma_start3A_20, %dma_start3A_30] : memref<50x128xi32, #tpu.memory_space<vmem>> -> memref<1x128xi32, #tpu.memory_space<vmem>>
    %dma_start3A_32 = tpu.memref_squeeze %dma_start3A_31 : memref<1x128xi32, #tpu.memory_space<vmem>> -> memref<128xi32, #tpu.memory_space<vmem>>
    %dma_start3A_33 = arith.constant 0 : i32
    %dma_start3A_34 = arith.constant 0 : i32
    %dma_start3A_35 = tpu.memref_slice %arg3[%dma_start3A_33, %dma_start3A_34] : memref<100000x128xf32, #tpu.memory_space<hbm>> -> memref<100000x128xf32, #tpu.memory_space<hbm>>
    %dma_start3A_36 = tpu.memref_slice %arg7[%dma_start3A_22] : memref<7x!tpu.dma_semaphore, #tpu.memory_space<semaphore_mem>> -> memref<1x!tpu.dma_semaphore, #tpu.memory_space<semaphore_mem>>
    %dma_start3A_37 = tpu.memref_squeeze %dma_start3A_36 : memref<1x!tpu.dma_semaphore, #tpu.memory_space<semaphore_mem>> -> memref<!tpu.dma_semaphore, #tpu.memory_space<semaphore_mem>>
    tpu.enqueue_indirect_dma source(%dma_start3A_35 : memref<100000x128xf32, #tpu.memory_space<hbm>>) target(%dma_start3A_29 : memref<128x128xf32, #tpu.memory_space<vmem>>) offsets(%dma_start3A_32 : memref<128xi32, #tpu.memory_space<vmem>>) semaphore(%dma_start3A_37 : memref<!tpu.dma_semaphore, #tpu.memory_space<semaphore_mem>>)
    %dma_start3A_38 = arith.constant 2 : i32
    %dma_start3A_39 = arith.constant 2 : i32
    %dma_start3A_40 = arith.constant 2 : i32
    %dma_start3A_41 = arith.constant 0 : i32
    %dma_start3A_42 = arith.constant 0 : i32
    %dma_start3A_43 = tpu.memref_slice %arg6[%dma_start3A_39, %dma_start3A_41, %dma_start3A_42] : memref<7x128x128xf32, #tpu.memory_space<vmem>> -> memref<1x128x128xf32, #tpu.memory_space<vmem>>
    %dma_start3A_44 = tpu.memref_squeeze %dma_start3A_43 : memref<1x128x128xf32, #tpu.memory_space<vmem>> -> memref<128x128xf32, #tpu.memory_space<vmem>>
    %dma_start3A_45 = arith.constant 0 : i32
    %dma_start3A_46 = arith.constant 0 : i32
    %dma_start3A_47 = tpu.memref_slice %dma_start3A_44[%dma_start3A_45, %dma_start3A_46] : memref<128x128xf32, #tpu.memory_space<vmem>> -> memref<128x128xf32, #tpu.memory_space<vmem>>
    %dma_start3A_48 = arith.constant 0 : i32
    %dma_start3A_49 = tpu.memref_slice %arg5[%dma_start3A_38, %dma_start3A_48] : memref<50x128xi32, #tpu.memory_space<vmem>> -> memref<1x128xi32, #tpu.memory_space<vmem>>
    %dma_start3A_50 = tpu.memref_squeeze %dma_start3A_49 : memref<1x128xi32, #tpu.memory_space<vmem>> -> memref<128xi32, #tpu.memory_space<vmem>>
    %dma_start3A_51 = arith.constant 0 : i32
    %dma_start3A_52 = arith.constant 0 : i32
    %dma_start3A_53 = tpu.memref_slice %arg3[%dma_start3A_51, %dma_start3A_52] : memref<100000x128xf32, #tpu.memory_space<hbm>> -> memref<100000x128xf32, #tpu.memory_space<hbm>>
    %dma_start3A_54 = tpu.memref_slice %arg7[%dma_start3A_40] : memref<7x!tpu.dma_semaphore, #tpu.memory_space<semaphore_mem>> -> memref<1x!tpu.dma_semaphore, #tpu.memory_space<semaphore_mem>>
    %dma_start3A_55 = tpu.memref_squeeze %dma_start3A_54 : memref<1x!tpu.dma_semaphore, #tpu.memory_space<semaphore_mem>> -> memref<!tpu.dma_semaphore, #tpu.memory_space<semaphore_mem>>
    tpu.enqueue_indirect_dma source(%dma_start3A_53 : memref<100000x128xf32, #tpu.memory_space<hbm>>) target(%dma_start3A_47 : memref<128x128xf32, #tpu.memory_space<vmem>>) offsets(%dma_start3A_50 : memref<128xi32, #tpu.memory_space<vmem>>) semaphore(%dma_start3A_55 : memref<!tpu.dma_semaphore, #tpu.memory_space<semaphore_mem>>)
    %dma_start3A_56 = arith.constant 3 : i32
    %dma_start3A_57 = arith.constant 3 : i32
    %dma_start3A_58 = arith.constant 3 : i32
    %dma_start3A_59 = arith.constant 0 : i32
    %dma_start3A_60 = arith.constant 0 : i32
    %dma_start3A_61 = tpu.memref_slice %arg6[%dma_start3A_57, %dma_start3A_59, %dma_start3A_60] : memref<7x128x128xf32, #tpu.memory_space<vmem>> -> memref<1x128x128xf32, #tpu.memory_space<vmem>>
    %dma_start3A_62 = tpu.memref_squeeze %dma_start3A_61 : memref<1x128x128xf32, #tpu.memory_space<vmem>> -> memref<128x128xf32, #tpu.memory_space<vmem>>
    %dma_start3A_63 = arith.constant 0 : i32
    %dma_start3A_64 = arith.constant 0 : i32
    %dma_start3A_65 = tpu.memref_slice %dma_start3A_62[%dma_start3A_63, %dma_start3A_64] : memref<128x128xf32, #tpu.memory_space<vmem>> -> memref<128x128xf32, #tpu.memory_space<vmem>>
    %dma_start3A_66 = arith.constant 0 : i32
    %dma_start3A_67 = tpu.memref_slice %arg5[%dma_start3A_56, %dma_start3A_66] : memref<50x128xi32, #tpu.memory_space<vmem>> -> memref<1x128xi32, #tpu.memory_space<vmem>>
    %dma_start3A_68 = tpu.memref_squeeze %dma_start3A_67 : memref<1x128xi32, #tpu.memory_space<vmem>> -> memref<128xi32, #tpu.memory_space<vmem>>
    %dma_start3A_69 = arith.constant 0 : i32
    %dma_start3A_70 = arith.constant 0 : i32
    %dma_start3A_71 = tpu.memref_slice %arg3[%dma_start3A_69, %dma_start3A_70] : memref<100000x128xf32, #tpu.memory_space<hbm>> -> memref<100000x128xf32, #tpu.memory_space<hbm>>
    %dma_start3A_72 = tpu.memref_slice %arg7[%dma_start3A_58] : memref<7x!tpu.dma_semaphore, #tpu.memory_space<semaphore_mem>> -> memref<1x!tpu.dma_semaphore, #tpu.memory_space<semaphore_mem>>
    %dma_start3A_73 = tpu.memref_squeeze %dma_start3A_72 : memref<1x!tpu.dma_semaphore, #tpu.memory_space<semaphore_mem>> -> memref<!tpu.dma_semaphore, #tpu.memory_space<semaphore_mem>>
    tpu.enqueue_indirect_dma source(%dma_start3A_71 : memref<100000x128xf32, #tpu.memory_space<hbm>>) target(%dma_start3A_65 : memref<128x128xf32, #tpu.memory_space<vmem>>) offsets(%dma_start3A_68 : memref<128xi32, #tpu.memory_space<vmem>>) semaphore(%dma_start3A_73 : memref<!tpu.dma_semaphore, #tpu.memory_space<semaphore_mem>>)
    %scan3A = arith.constant 0 : i32
    %scan3A_74 = arith.constant 0 : i32
    %scan3A_75 = arith.constant 8 : i32
    %scan3A_76 = arith.addi %scan3A_74, %scan3A_75 : i32
    %scan3A_77 = arith.constant 1 : i32
    scf.for %scan3A_190 = %scan3A_74 to %scan3A_76 step %scan3A_77  : i32 {
      %mul3A_191 = arith.constant 7 : i32
      %mul3A_192 = arith.muli %scan3A_190, %mul3A_191 : i32
      %add3A_193 = arith.constant 0 : i32
      %add3A_194 = arith.addi %mul3A_192, %add3A_193 : i32
      %add3A_195 = arith.constant 4 : i32
      %add3A_196 = arith.addi %add3A_194, %add3A_195 : i32
      %ge3A = arith.constant 7 : i32
      %ge3A_197 = arith.cmpi sge, %add3A_196, %ge3A : i32
      %lt3A = arith.constant 50 : i32
      %lt3A_198 = arith.cmpi slt, %add3A_196, %lt3A : i32
      %and3A = arith.andi %ge3A_197, %lt3A_198 : i1
      %convert_element_type3A = arith.extui %and3A : i1 to i32
      %cond3A = arith.constant 0 : i32
      %cond3A_199 = arith.cmpi ne, %convert_element_type3A, %cond3A : i32
      scf.if %cond3A_199 {
        %dma_wait3A_354 = arith.constant 4 : i32
        %dma_wait3A_355 = arith.constant 4 : i32
        %dma_wait3A_356 = arith.constant 0 : i32
        %dma_wait3A_357 = arith.constant 0 : i32
        %dma_wait3A_358 = tpu.memref_slice %arg6[%dma_wait3A_354, %dma_wait3A_356, %dma_wait3A_357] : memref<7x128x128xf32, #tpu.memory_space<vmem>> -> memref<1x128x128xf32, #tpu.memory_space<vmem>>
        %dma_wait3A_359 = tpu.memref_squeeze %dma_wait3A_358 : memref<1x128x128xf32, #tpu.memory_space<vmem>> -> memref<128x128xf32, #tpu.memory_space<vmem>>
        %dma_wait3A_360 = arith.constant 0 : i32
        %dma_wait3A_361 = tpu.memref_slice %arg4[%mul3A_2, %dma_wait3A_360] : memref<204800x128xf32, #tpu.memory_space<hbm>> -> memref<128x128xf32, #tpu.memory_space<hbm>>
        %dma_wait3A_362 = tpu.memref_slice %arg8[%dma_wait3A_355] : memref<7x!tpu.dma_semaphore, #tpu.memory_space<semaphore_mem>> -> memref<1x!tpu.dma_semaphore, #tpu.memory_space<semaphore_mem>>
        %dma_wait3A_363 = tpu.memref_squeeze %dma_wait3A_362 : memref<1x!tpu.dma_semaphore, #tpu.memory_space<semaphore_mem>> -> memref<!tpu.dma_semaphore, #tpu.memory_space<semaphore_mem>>
        %dma_wait3A_364 = arith.constant 0 : i32
        %dma_wait3A_365 = tpu.memref_slice %arg4[%mul3A_2, %dma_wait3A_364] : memref<204800x128xf32, #tpu.memory_space<hbm>> -> memref<128x128xf32, #tpu.memory_space<hbm>>
        %dma_wait3A_366 = arith.constant 0 : i32
        %dma_wait3A_367 = arith.constant 0 : i32
        %dma_wait3A_368 = tpu.memref_slice %arg6[%dma_wait3A_354, %dma_wait3A_366, %dma_wait3A_367] : memref<7x128x128xf32, #tpu.memory_space<vmem>> -> memref<1x128x128xf32, #tpu.memory_space<vmem>>
        %dma_wait3A_369 = tpu.memref_squeeze %dma_wait3A_368 : memref<1x128x128xf32, #tpu.memory_space<vmem>> -> memref<128x128xf32, #tpu.memory_space<vmem>>
        tpu.wait_dma2 semaphore(%dma_wait3A_363 : memref<!tpu.dma_semaphore, #tpu.memory_space<semaphore_mem>>) src(%dma_wait3A_369 : memref<128x128xf32, #tpu.memory_space<vmem>>) dst(%dma_wait3A_365 : memref<128x128xf32, #tpu.memory_space<hbm>>)
      } else {
      }
      %lt3A_200 = arith.constant 50 : i32
      %lt3A_201 = arith.cmpi slt, %add3A_196, %lt3A_200 : i32
      %convert_element_type3A_202 = arith.extui %lt3A_201 : i1 to i32
      %cond3A_203 = arith.constant 0 : i32
      %cond3A_204 = arith.cmpi ne, %convert_element_type3A_202, %cond3A_203 : i32
      scf.if %cond3A_204 {
        %mul3A_354 = arith.constant 1 : i32
        %mul3A_355 = arith.muli %add3A_196, %mul3A_354 : i32
        %add3A_356 = arith.constant 0 : i32
        %add3A_357 = arith.addi %mul3A_355, %add3A_356 : i32
        %dma_start3A_358 = arith.constant 4 : i32
        %dma_start3A_359 = arith.constant 4 : i32
        %dma_start3A_360 = arith.constant 0 : i32
        %dma_start3A_361 = arith.constant 0 : i32
        %dma_start3A_362 = tpu.memref_slice %arg6[%dma_start3A_358, %dma_start3A_360, %dma_start3A_361] : memref<7x128x128xf32, #tpu.memory_space<vmem>> -> memref<1x128x128xf32, #tpu.memory_space<vmem>>
        %dma_start3A_363 = tpu.memref_squeeze %dma_start3A_362 : memref<1x128x128xf32, #tpu.memory_space<vmem>> -> memref<128x128xf32, #tpu.memory_space<vmem>>
        %dma_start3A_364 = arith.constant 0 : i32
        %dma_start3A_365 = arith.constant 0 : i32
        %dma_start3A_366 = tpu.memref_slice %dma_start3A_363[%dma_start3A_364, %dma_start3A_365] : memref<128x128xf32, #tpu.memory_space<vmem>> -> memref<128x128xf32, #tpu.memory_space<vmem>>
        %dma_start3A_367 = arith.constant 0 : i32
        %dma_start3A_368 = tpu.memref_slice %arg5[%add3A_357, %dma_start3A_367] : memref<50x128xi32, #tpu.memory_space<vmem>> -> memref<1x128xi32, #tpu.memory_space<vmem>>
        %dma_start3A_369 = tpu.memref_squeeze %dma_start3A_368 : memref<1x128xi32, #tpu.memory_space<vmem>> -> memref<128xi32, #tpu.memory_space<vmem>>
        %dma_start3A_370 = arith.constant 0 : i32
        %dma_start3A_371 = arith.constant 0 : i32
        %dma_start3A_372 = tpu.memref_slice %arg3[%dma_start3A_370, %dma_start3A_371] : memref<100000x128xf32, #tpu.memory_space<hbm>> -> memref<100000x128xf32, #tpu.memory_space<hbm>>
        %dma_start3A_373 = tpu.memref_slice %arg7[%dma_start3A_359] : memref<7x!tpu.dma_semaphore, #tpu.memory_space<semaphore_mem>> -> memref<1x!tpu.dma_semaphore, #tpu.memory_space<semaphore_mem>>
        %dma_start3A_374 = tpu.memref_squeeze %dma_start3A_373 : memref<1x!tpu.dma_semaphore, #tpu.memory_space<semaphore_mem>> -> memref<!tpu.dma_semaphore, #tpu.memory_space<semaphore_mem>>
        tpu.enqueue_indirect_dma source(%dma_start3A_372 : memref<100000x128xf32, #tpu.memory_space<hbm>>) target(%dma_start3A_366 : memref<128x128xf32, #tpu.memory_space<vmem>>) offsets(%dma_start3A_369 : memref<128xi32, #tpu.memory_space<vmem>>) semaphore(%dma_start3A_374 : memref<!tpu.dma_semaphore, #tpu.memory_space<semaphore_mem>>)
      } else {
      }
      %lt3A_205 = arith.constant 50 : i32
      %lt3A_206 = arith.cmpi slt, %add3A_194, %lt3A_205 : i32
      %convert_element_type3A_207 = arith.extui %lt3A_206 : i1 to i32
      %cond3A_208 = arith.constant 0 : i32
      %cond3A_209 = arith.cmpi ne, %convert_element_type3A_207, %cond3A_208 : i32
      scf.if %cond3A_209 {
        %dma_wait3A_354 = arith.constant 0 : i32
        %dma_wait3A_355 = arith.constant 0 : i32
        %dma_wait3A_356 = arith.constant 0 : i32
        %dma_wait3A_357 = arith.constant 0 : i32
        %dma_wait3A_358 = arith.constant 0 : i32
        %dma_wait3A_359 = tpu.memref_slice %arg6[%dma_wait3A_355, %dma_wait3A_357, %dma_wait3A_358] : memref<7x128x128xf32, #tpu.memory_space<vmem>> -> memref<1x128x128xf32, #tpu.memory_space<vmem>>
        %dma_wait3A_360 = tpu.memref_squeeze %dma_wait3A_359 : memref<1x128x128xf32, #tpu.memory_space<vmem>> -> memref<128x128xf32, #tpu.memory_space<vmem>>
        %dma_wait3A_361 = arith.constant 0 : i32
        %dma_wait3A_362 = arith.constant 0 : i32
        %dma_wait3A_363 = tpu.memref_slice %dma_wait3A_360[%dma_wait3A_361, %dma_wait3A_362] : memref<128x128xf32, #tpu.memory_space<vmem>> -> memref<128x128xf32, #tpu.memory_space<vmem>>
        %dma_wait3A_364 = arith.constant 0 : i32
        %dma_wait3A_365 = tpu.memref_slice %arg5[%dma_wait3A_354, %dma_wait3A_364] : memref<50x128xi32, #tpu.memory_space<vmem>> -> memref<1x128xi32, #tpu.memory_space<vmem>>
        %dma_wait3A_366 = tpu.memref_squeeze %dma_wait3A_365 : memref<1x128xi32, #tpu.memory_space<vmem>> -> memref<128xi32, #tpu.memory_space<vmem>>
        %dma_wait3A_367 = arith.constant 0 : i32
        %dma_wait3A_368 = arith.constant 0 : i32
        %dma_wait3A_369 = tpu.memref_slice %arg3[%dma_wait3A_367, %dma_wait3A_368] : memref<100000x128xf32, #tpu.memory_space<hbm>> -> memref<100000x128xf32, #tpu.memory_space<hbm>>
        %dma_wait3A_370 = tpu.memref_slice %arg7[%dma_wait3A_356] : memref<7x!tpu.dma_semaphore, #tpu.memory_space<semaphore_mem>> -> memref<1x!tpu.dma_semaphore, #tpu.memory_space<semaphore_mem>>
        %dma_wait3A_371 = tpu.memref_squeeze %dma_wait3A_370 : memref<1x!tpu.dma_semaphore, #tpu.memory_space<semaphore_mem>> -> memref<!tpu.dma_semaphore, #tpu.memory_space<semaphore_mem>>
        tpu.wait_indirect_dma semaphore(%dma_wait3A_371 : memref<!tpu.dma_semaphore, #tpu.memory_space<semaphore_mem>>) src(%dma_wait3A_369 : memref<100000x128xf32, #tpu.memory_space<hbm>>) dst(%dma_wait3A_363 : memref<128x128xf32, #tpu.memory_space<vmem>>)
        %mul3A_372 = arith.constant 128 : i32
        %mul3A_373 = arith.muli %add3A_194, %mul3A_372 : i32
        %add3A_374 = arith.addi %mul3A_2, %mul3A_373 : i32
        %dma_start3A_375 = arith.constant 0 : i32
        %dma_start3A_376 = arith.constant 0 : i32
        %dma_start3A_377 = arith.constant 0 : i32
        %dma_start3A_378 = arith.constant 0 : i32
        %dma_start3A_379 = tpu.memref_slice %arg6[%dma_start3A_375, %dma_start3A_377, %dma_start3A_378] : memref<7x128x128xf32, #tpu.memory_space<vmem>> -> memref<1x128x128xf32, #tpu.memory_space<vmem>>
        %dma_start3A_380 = tpu.memref_squeeze %dma_start3A_379 : memref<1x128x128xf32, #tpu.memory_space<vmem>> -> memref<128x128xf32, #tpu.memory_space<vmem>>
        %dma_start3A_381 = arith.constant 0 : i32
        %dma_start3A_382 = tpu.memref_slice %arg4[%add3A_374, %dma_start3A_381] : memref<204800x128xf32, #tpu.memory_space<hbm>> -> memref<128x128xf32, #tpu.memory_space<hbm>>
        %dma_start3A_383 = tpu.memref_slice %arg8[%dma_start3A_376] : memref<7x!tpu.dma_semaphore, #tpu.memory_space<semaphore_mem>> -> memref<1x!tpu.dma_semaphore, #tpu.memory_space<semaphore_mem>>
        %dma_start3A_384 = tpu.memref_squeeze %dma_start3A_383 : memref<1x!tpu.dma_semaphore, #tpu.memory_space<semaphore_mem>> -> memref<!tpu.dma_semaphore, #tpu.memory_space<semaphore_mem>>
        %dma_start3A_385 = arith.constant 0 : i32
        %dma_start3A_386 = tpu.memref_slice %arg4[%add3A_374, %dma_start3A_385] : memref<204800x128xf32, #tpu.memory_space<hbm>> -> memref<128x128xf32, #tpu.memory_space<hbm>>
        %dma_start3A_387 = arith.constant 0 : i32
        %dma_start3A_388 = arith.constant 0 : i32
        %dma_start3A_389 = tpu.memref_slice %arg6[%dma_start3A_375, %dma_start3A_387, %dma_start3A_388] : memref<7x128x128xf32, #tpu.memory_space<vmem>> -> memref<1x128x128xf32, #tpu.memory_space<vmem>>
        %dma_start3A_390 = tpu.memref_squeeze %dma_start3A_389 : memref<1x128x128xf32, #tpu.memory_space<vmem>> -> memref<128x128xf32, #tpu.memory_space<vmem>>
        tpu.enqueue_dma source(%dma_start3A_390 : memref<128x128xf32, #tpu.memory_space<vmem>>) target(%dma_start3A_386 : memref<128x128xf32, #tpu.memory_space<hbm>>) target_semaphore(%dma_start3A_384 : memref<!tpu.dma_semaphore, #tpu.memory_space<semaphore_mem>>)
      } else {
      }
      %mul3A_210 = arith.constant 7 : i32
      %mul3A_211 = arith.muli %scan3A_190, %mul3A_210 : i32
      %add3A_212 = arith.constant 1 : i32
      %add3A_213 = arith.addi %mul3A_211, %add3A_212 : i32
      %add3A_214 = arith.constant 4 : i32
      %add3A_215 = arith.addi %add3A_213, %add3A_214 : i32
      %ge3A_216 = arith.constant 7 : i32
      %ge3A_217 = arith.cmpi sge, %add3A_215, %ge3A_216 : i32
      %lt3A_218 = arith.constant 50 : i32
      %lt3A_219 = arith.cmpi slt, %add3A_215, %lt3A_218 : i32
      %and3A_220 = arith.andi %ge3A_217, %lt3A_219 : i1
      %convert_element_type3A_221 = arith.extui %and3A_220 : i1 to i32
      %cond3A_222 = arith.constant 0 : i32
      %cond3A_223 = arith.cmpi ne, %convert_element_type3A_221, %cond3A_222 : i32
      scf.if %cond3A_223 {
        %dma_wait3A_354 = arith.constant 5 : i32
        %dma_wait3A_355 = arith.constant 5 : i32
        %dma_wait3A_356 = arith.constant 0 : i32
        %dma_wait3A_357 = arith.constant 0 : i32
        %dma_wait3A_358 = tpu.memref_slice %arg6[%dma_wait3A_354, %dma_wait3A_356, %dma_wait3A_357] : memref<7x128x128xf32, #tpu.memory_space<vmem>> -> memref<1x128x128xf32, #tpu.memory_space<vmem>>
        %dma_wait3A_359 = tpu.memref_squeeze %dma_wait3A_358 : memref<1x128x128xf32, #tpu.memory_space<vmem>> -> memref<128x128xf32, #tpu.memory_space<vmem>>
        %dma_wait3A_360 = arith.constant 0 : i32
        %dma_wait3A_361 = tpu.memref_slice %arg4[%mul3A_2, %dma_wait3A_360] : memref<204800x128xf32, #tpu.memory_space<hbm>> -> memref<128x128xf32, #tpu.memory_space<hbm>>
        %dma_wait3A_362 = tpu.memref_slice %arg8[%dma_wait3A_355] : memref<7x!tpu.dma_semaphore, #tpu.memory_space<semaphore_mem>> -> memref<1x!tpu.dma_semaphore, #tpu.memory_space<semaphore_mem>>
        %dma_wait3A_363 = tpu.memref_squeeze %dma_wait3A_362 : memref<1x!tpu.dma_semaphore, #tpu.memory_space<semaphore_mem>> -> memref<!tpu.dma_semaphore, #tpu.memory_space<semaphore_mem>>
        %dma_wait3A_364 = arith.constant 0 : i32
        %dma_wait3A_365 = tpu.memref_slice %arg4[%mul3A_2, %dma_wait3A_364] : memref<204800x128xf32, #tpu.memory_space<hbm>> -> memref<128x128xf32, #tpu.memory_space<hbm>>
        %dma_wait3A_366 = arith.constant 0 : i32
        %dma_wait3A_367 = arith.constant 0 : i32
        %dma_wait3A_368 = tpu.memref_slice %arg6[%dma_wait3A_354, %dma_wait3A_366, %dma_wait3A_367] : memref<7x128x128xf32, #tpu.memory_space<vmem>> -> memref<1x128x128xf32, #tpu.memory_space<vmem>>
        %dma_wait3A_369 = tpu.memref_squeeze %dma_wait3A_368 : memref<1x128x128xf32, #tpu.memory_space<vmem>> -> memref<128x128xf32, #tpu.memory_space<vmem>>
        tpu.wait_dma2 semaphore(%dma_wait3A_363 : memref<!tpu.dma_semaphore, #tpu.memory_space<semaphore_mem>>) src(%dma_wait3A_369 : memref<128x128xf32, #tpu.memory_space<vmem>>) dst(%dma_wait3A_365 : memref<128x128xf32, #tpu.memory_space<hbm>>)
      } else {
      }
      %lt3A_224 = arith.constant 50 : i32
      %lt3A_225 = arith.cmpi slt, %add3A_215, %lt3A_224 : i32
      %convert_element_type3A_226 = arith.extui %lt3A_225 : i1 to i32
      %cond3A_227 = arith.constant 0 : i32
      %cond3A_228 = arith.cmpi ne, %convert_element_type3A_226, %cond3A_227 : i32
      scf.if %cond3A_228 {
        %mul3A_354 = arith.constant 1 : i32
        %mul3A_355 = arith.muli %add3A_215, %mul3A_354 : i32
        %add3A_356 = arith.constant 0 : i32
        %add3A_357 = arith.addi %mul3A_355, %add3A_356 : i32
        %dma_start3A_358 = arith.constant 5 : i32
        %dma_start3A_359 = arith.constant 5 : i32
        %dma_start3A_360 = arith.constant 0 : i32
        %dma_start3A_361 = arith.constant 0 : i32
        %dma_start3A_362 = tpu.memref_slice %arg6[%dma_start3A_358, %dma_start3A_360, %dma_start3A_361] : memref<7x128x128xf32, #tpu.memory_space<vmem>> -> memref<1x128x128xf32, #tpu.memory_space<vmem>>
        %dma_start3A_363 = tpu.memref_squeeze %dma_start3A_362 : memref<1x128x128xf32, #tpu.memory_space<vmem>> -> memref<128x128xf32, #tpu.memory_space<vmem>>
        %dma_start3A_364 = arith.constant 0 : i32
        %dma_start3A_365 = arith.constant 0 : i32
        %dma_start3A_366 = tpu.memref_slice %dma_start3A_363[%dma_start3A_364, %dma_start3A_365] : memref<128x128xf32, #tpu.memory_space<vmem>> -> memref<128x128xf32, #tpu.memory_space<vmem>>
        %dma_start3A_367 = arith.constant 0 : i32
        %dma_start3A_368 = tpu.memref_slice %arg5[%add3A_357, %dma_start3A_367] : memref<50x128xi32, #tpu.memory_space<vmem>> -> memref<1x128xi32, #tpu.memory_space<vmem>>
        %dma_start3A_369 = tpu.memref_squeeze %dma_start3A_368 : memref<1x128xi32, #tpu.memory_space<vmem>> -> memref<128xi32, #tpu.memory_space<vmem>>
        %dma_start3A_370 = arith.constant 0 : i32
        %dma_start3A_371 = arith.constant 0 : i32
        %dma_start3A_372 = tpu.memref_slice %arg3[%dma_start3A_370, %dma_start3A_371] : memref<100000x128xf32, #tpu.memory_space<hbm>> -> memref<100000x128xf32, #tpu.memory_space<hbm>>
        %dma_start3A_373 = tpu.memref_slice %arg7[%dma_start3A_359] : memref<7x!tpu.dma_semaphore, #tpu.memory_space<semaphore_mem>> -> memref<1x!tpu.dma_semaphore, #tpu.memory_space<semaphore_mem>>
        %dma_start3A_374 = tpu.memref_squeeze %dma_start3A_373 : memref<1x!tpu.dma_semaphore, #tpu.memory_space<semaphore_mem>> -> memref<!tpu.dma_semaphore, #tpu.memory_space<semaphore_mem>>
        tpu.enqueue_indirect_dma source(%dma_start3A_372 : memref<100000x128xf32, #tpu.memory_space<hbm>>) target(%dma_start3A_366 : memref<128x128xf32, #tpu.memory_space<vmem>>) offsets(%dma_start3A_369 : memref<128xi32, #tpu.memory_space<vmem>>) semaphore(%dma_start3A_374 : memref<!tpu.dma_semaphore, #tpu.memory_space<semaphore_mem>>)
      } else {
      }
      %lt3A_229 = arith.constant 50 : i32
      %lt3A_230 = arith.cmpi slt, %add3A_213, %lt3A_229 : i32
      %convert_element_type3A_231 = arith.extui %lt3A_230 : i1 to i32
      %cond3A_232 = arith.constant 0 : i32
      %cond3A_233 = arith.cmpi ne, %convert_element_type3A_231, %cond3A_232 : i32
      scf.if %cond3A_233 {
        %dma_wait3A_354 = arith.constant 0 : i32
        %dma_wait3A_355 = arith.constant 1 : i32
        %dma_wait3A_356 = arith.constant 1 : i32
        %dma_wait3A_357 = arith.constant 0 : i32
        %dma_wait3A_358 = arith.constant 0 : i32
        %dma_wait3A_359 = tpu.memref_slice %arg6[%dma_wait3A_355, %dma_wait3A_357, %dma_wait3A_358] : memref<7x128x128xf32, #tpu.memory_space<vmem>> -> memref<1x128x128xf32, #tpu.memory_space<vmem>>
        %dma_wait3A_360 = tpu.memref_squeeze %dma_wait3A_359 : memref<1x128x128xf32, #tpu.memory_space<vmem>> -> memref<128x128xf32, #tpu.memory_space<vmem>>
        %dma_wait3A_361 = arith.constant 0 : i32
        %dma_wait3A_362 = arith.constant 0 : i32
        %dma_wait3A_363 = tpu.memref_slice %dma_wait3A_360[%dma_wait3A_361, %dma_wait3A_362] : memref<128x128xf32, #tpu.memory_space<vmem>> -> memref<128x128xf32, #tpu.memory_space<vmem>>
        %dma_wait3A_364 = arith.constant 0 : i32
        %dma_wait3A_365 = tpu.memref_slice %arg5[%dma_wait3A_354, %dma_wait3A_364] : memref<50x128xi32, #tpu.memory_space<vmem>> -> memref<1x128xi32, #tpu.memory_space<vmem>>
        %dma_wait3A_366 = tpu.memref_squeeze %dma_wait3A_365 : memref<1x128xi32, #tpu.memory_space<vmem>> -> memref<128xi32, #tpu.memory_space<vmem>>
        %dma_wait3A_367 = arith.constant 0 : i32
        %dma_wait3A_368 = arith.constant 0 : i32
        %dma_wait3A_369 = tpu.memref_slice %arg3[%dma_wait3A_367, %dma_wait3A_368] : memref<100000x128xf32, #tpu.memory_space<hbm>> -> memref<100000x128xf32, #tpu.memory_space<hbm>>
        %dma_wait3A_370 = tpu.memref_slice %arg7[%dma_wait3A_356] : memref<7x!tpu.dma_semaphore, #tpu.memory_space<semaphore_mem>> -> memref<1x!tpu.dma_semaphore, #tpu.memory_space<semaphore_mem>>
        %dma_wait3A_371 = tpu.memref_squeeze %dma_wait3A_370 : memref<1x!tpu.dma_semaphore, #tpu.memory_space<semaphore_mem>> -> memref<!tpu.dma_semaphore, #tpu.memory_space<semaphore_mem>>
        tpu.wait_indirect_dma semaphore(%dma_wait3A_371 : memref<!tpu.dma_semaphore, #tpu.memory_space<semaphore_mem>>) src(%dma_wait3A_369 : memref<100000x128xf32, #tpu.memory_space<hbm>>) dst(%dma_wait3A_363 : memref<128x128xf32, #tpu.memory_space<vmem>>)
        %mul3A_372 = arith.constant 128 : i32
        %mul3A_373 = arith.muli %add3A_213, %mul3A_372 : i32
        %add3A_374 = arith.addi %mul3A_2, %mul3A_373 : i32
        %dma_start3A_375 = arith.constant 1 : i32
        %dma_start3A_376 = arith.constant 1 : i32
        %dma_start3A_377 = arith.constant 0 : i32
        %dma_start3A_378 = arith.constant 0 : i32
        %dma_start3A_379 = tpu.memref_slice %arg6[%dma_start3A_375, %dma_start3A_377, %dma_start3A_378] : memref<7x128x128xf32, #tpu.memory_space<vmem>> -> memref<1x128x128xf32, #tpu.memory_space<vmem>>
        %dma_start3A_380 = tpu.memref_squeeze %dma_start3A_379 : memref<1x128x128xf32, #tpu.memory_space<vmem>> -> memref<128x128xf32, #tpu.memory_space<vmem>>
        %dma_start3A_381 = arith.constant 0 : i32
        %dma_start3A_382 = tpu.memref_slice %arg4[%add3A_374, %dma_start3A_381] : memref<204800x128xf32, #tpu.memory_space<hbm>> -> memref<128x128xf32, #tpu.memory_space<hbm>>
        %dma_start3A_383 = tpu.memref_slice %arg8[%dma_start3A_376] : memref<7x!tpu.dma_semaphore, #tpu.memory_space<semaphore_mem>> -> memref<1x!tpu.dma_semaphore, #tpu.memory_space<semaphore_mem>>
        %dma_start3A_384 = tpu.memref_squeeze %dma_start3A_383 : memref<1x!tpu.dma_semaphore, #tpu.memory_space<semaphore_mem>> -> memref<!tpu.dma_semaphore, #tpu.memory_space<semaphore_mem>>
        %dma_start3A_385 = arith.constant 0 : i32
        %dma_start3A_386 = tpu.memref_slice %arg4[%add3A_374, %dma_start3A_385] : memref<204800x128xf32, #tpu.memory_space<hbm>> -> memref<128x128xf32, #tpu.memory_space<hbm>>
        %dma_start3A_387 = arith.constant 0 : i32
        %dma_start3A_388 = arith.constant 0 : i32
        %dma_start3A_389 = tpu.memref_slice %arg6[%dma_start3A_375, %dma_start3A_387, %dma_start3A_388] : memref<7x128x128xf32, #tpu.memory_space<vmem>> -> memref<1x128x128xf32, #tpu.memory_space<vmem>>
        %dma_start3A_390 = tpu.memref_squeeze %dma_start3A_389 : memref<1x128x128xf32, #tpu.memory_space<vmem>> -> memref<128x128xf32, #tpu.memory_space<vmem>>
        tpu.enqueue_dma source(%dma_start3A_390 : memref<128x128xf32, #tpu.memory_space<vmem>>) target(%dma_start3A_386 : memref<128x128xf32, #tpu.memory_space<hbm>>) target_semaphore(%dma_start3A_384 : memref<!tpu.dma_semaphore, #tpu.memory_space<semaphore_mem>>)
      } else {
      }
      %mul3A_234 = arith.constant 7 : i32
      %mul3A_235 = arith.muli %scan3A_190, %mul3A_234 : i32
      %add3A_236 = arith.constant 2 : i32
      %add3A_237 = arith.addi %mul3A_235, %add3A_236 : i32
      %add3A_238 = arith.constant 4 : i32
      %add3A_239 = arith.addi %add3A_237, %add3A_238 : i32
      %ge3A_240 = arith.constant 7 : i32
      %ge3A_241 = arith.cmpi sge, %add3A_239, %ge3A_240 : i32
      %lt3A_242 = arith.constant 50 : i32
      %lt3A_243 = arith.cmpi slt, %add3A_239, %lt3A_242 : i32
      %and3A_244 = arith.andi %ge3A_241, %lt3A_243 : i1
      %convert_element_type3A_245 = arith.extui %and3A_244 : i1 to i32
      %cond3A_246 = arith.constant 0 : i32
      %cond3A_247 = arith.cmpi ne, %convert_element_type3A_245, %cond3A_246 : i32
      scf.if %cond3A_247 {
        %dma_wait3A_354 = arith.constant 6 : i32
        %dma_wait3A_355 = arith.constant 6 : i32
        %dma_wait3A_356 = arith.constant 0 : i32
        %dma_wait3A_357 = arith.constant 0 : i32
        %dma_wait3A_358 = tpu.memref_slice %arg6[%dma_wait3A_354, %dma_wait3A_356, %dma_wait3A_357] : memref<7x128x128xf32, #tpu.memory_space<vmem>> -> memref<1x128x128xf32, #tpu.memory_space<vmem>>
        %dma_wait3A_359 = tpu.memref_squeeze %dma_wait3A_358 : memref<1x128x128xf32, #tpu.memory_space<vmem>> -> memref<128x128xf32, #tpu.memory_space<vmem>>
        %dma_wait3A_360 = arith.constant 0 : i32
        %dma_wait3A_361 = tpu.memref_slice %arg4[%mul3A_2, %dma_wait3A_360] : memref<204800x128xf32, #tpu.memory_space<hbm>> -> memref<128x128xf32, #tpu.memory_space<hbm>>
        %dma_wait3A_362 = tpu.memref_slice %arg8[%dma_wait3A_355] : memref<7x!tpu.dma_semaphore, #tpu.memory_space<semaphore_mem>> -> memref<1x!tpu.dma_semaphore, #tpu.memory_space<semaphore_mem>>
        %dma_wait3A_363 = tpu.memref_squeeze %dma_wait3A_362 : memref<1x!tpu.dma_semaphore, #tpu.memory_space<semaphore_mem>> -> memref<!tpu.dma_semaphore, #tpu.memory_space<semaphore_mem>>
        %dma_wait3A_364 = arith.constant 0 : i32
        %dma_wait3A_365 = tpu.memref_slice %arg4[%mul3A_2, %dma_wait3A_364] : memref<204800x128xf32, #tpu.memory_space<hbm>> -> memref<128x128xf32, #tpu.memory_space<hbm>>
        %dma_wait3A_366 = arith.constant 0 : i32
        %dma_wait3A_367 = arith.constant 0 : i32
        %dma_wait3A_368 = tpu.memref_slice %arg6[%dma_wait3A_354, %dma_wait3A_366, %dma_wait3A_367] : memref<7x128x128xf32, #tpu.memory_space<vmem>> -> memref<1x128x128xf32, #tpu.memory_space<vmem>>
        %dma_wait3A_369 = tpu.memref_squeeze %dma_wait3A_368 : memref<1x128x128xf32, #tpu.memory_space<vmem>> -> memref<128x128xf32, #tpu.memory_space<vmem>>
        tpu.wait_dma2 semaphore(%dma_wait3A_363 : memref<!tpu.dma_semaphore, #tpu.memory_space<semaphore_mem>>) src(%dma_wait3A_369 : memref<128x128xf32, #tpu.memory_space<vmem>>) dst(%dma_wait3A_365 : memref<128x128xf32, #tpu.memory_space<hbm>>)
      } else {
      }
      %lt3A_248 = arith.constant 50 : i32
      %lt3A_249 = arith.cmpi slt, %add3A_239, %lt3A_248 : i32
      %convert_element_type3A_250 = arith.extui %lt3A_249 : i1 to i32
      %cond3A_251 = arith.constant 0 : i32
      %cond3A_252 = arith.cmpi ne, %convert_element_type3A_250, %cond3A_251 : i32
      scf.if %cond3A_252 {
        %mul3A_354 = arith.constant 1 : i32
        %mul3A_355 = arith.muli %add3A_239, %mul3A_354 : i32
        %add3A_356 = arith.constant 0 : i32
        %add3A_357 = arith.addi %mul3A_355, %add3A_356 : i32
        %dma_start3A_358 = arith.constant 6 : i32
        %dma_start3A_359 = arith.constant 6 : i32
        %dma_start3A_360 = arith.constant 0 : i32
        %dma_start3A_361 = arith.constant 0 : i32
        %dma_start3A_362 = tpu.memref_slice %arg6[%dma_start3A_358, %dma_start3A_360, %dma_start3A_361] : memref<7x128x128xf32, #tpu.memory_space<vmem>> -> memref<1x128x128xf32, #tpu.memory_space<vmem>>
        %dma_start3A_363 = tpu.memref_squeeze %dma_start3A_362 : memref<1x128x128xf32, #tpu.memory_space<vmem>> -> memref<128x128xf32, #tpu.memory_space<vmem>>
        %dma_start3A_364 = arith.constant 0 : i32
        %dma_start3A_365 = arith.constant 0 : i32
        %dma_start3A_366 = tpu.memref_slice %dma_start3A_363[%dma_start3A_364, %dma_start3A_365] : memref<128x128xf32, #tpu.memory_space<vmem>> -> memref<128x128xf32, #tpu.memory_space<vmem>>
        %dma_start3A_367 = arith.constant 0 : i32
        %dma_start3A_368 = tpu.memref_slice %arg5[%add3A_357, %dma_start3A_367] : memref<50x128xi32, #tpu.memory_space<vmem>> -> memref<1x128xi32, #tpu.memory_space<vmem>>
        %dma_start3A_369 = tpu.memref_squeeze %dma_start3A_368 : memref<1x128xi32, #tpu.memory_space<vmem>> -> memref<128xi32, #tpu.memory_space<vmem>>
        %dma_start3A_370 = arith.constant 0 : i32
        %dma_start3A_371 = arith.constant 0 : i32
        %dma_start3A_372 = tpu.memref_slice %arg3[%dma_start3A_370, %dma_start3A_371] : memref<100000x128xf32, #tpu.memory_space<hbm>> -> memref<100000x128xf32, #tpu.memory_space<hbm>>
        %dma_start3A_373 = tpu.memref_slice %arg7[%dma_start3A_359] : memref<7x!tpu.dma_semaphore, #tpu.memory_space<semaphore_mem>> -> memref<1x!tpu.dma_semaphore, #tpu.memory_space<semaphore_mem>>
        %dma_start3A_374 = tpu.memref_squeeze %dma_start3A_373 : memref<1x!tpu.dma_semaphore, #tpu.memory_space<semaphore_mem>> -> memref<!tpu.dma_semaphore, #tpu.memory_space<semaphore_mem>>
        tpu.enqueue_indirect_dma source(%dma_start3A_372 : memref<100000x128xf32, #tpu.memory_space<hbm>>) target(%dma_start3A_366 : memref<128x128xf32, #tpu.memory_space<vmem>>) offsets(%dma_start3A_369 : memref<128xi32, #tpu.memory_space<vmem>>) semaphore(%dma_start3A_374 : memref<!tpu.dma_semaphore, #tpu.memory_space<semaphore_mem>>)
      } else {
      }
      %lt3A_253 = arith.constant 50 : i32
      %lt3A_254 = arith.cmpi slt, %add3A_237, %lt3A_253 : i32
      %convert_element_type3A_255 = arith.extui %lt3A_254 : i1 to i32
      %cond3A_256 = arith.constant 0 : i32
      %cond3A_257 = arith.cmpi ne, %convert_element_type3A_255, %cond3A_256 : i32
      scf.if %cond3A_257 {
        %dma_wait3A_354 = arith.constant 0 : i32
        %dma_wait3A_355 = arith.constant 2 : i32
        %dma_wait3A_356 = arith.constant 2 : i32
        %dma_wait3A_357 = arith.constant 0 : i32
        %dma_wait3A_358 = arith.constant 0 : i32
        %dma_wait3A_359 = tpu.memref_slice %arg6[%dma_wait3A_355, %dma_wait3A_357, %dma_wait3A_358] : memref<7x128x128xf32, #tpu.memory_space<vmem>> -> memref<1x128x128xf32, #tpu.memory_space<vmem>>
        %dma_wait3A_360 = tpu.memref_squeeze %dma_wait3A_359 : memref<1x128x128xf32, #tpu.memory_space<vmem>> -> memref<128x128xf32, #tpu.memory_space<vmem>>
        %dma_wait3A_361 = arith.constant 0 : i32
        %dma_wait3A_362 = arith.constant 0 : i32
        %dma_wait3A_363 = tpu.memref_slice %dma_wait3A_360[%dma_wait3A_361, %dma_wait3A_362] : memref<128x128xf32, #tpu.memory_space<vmem>> -> memref<128x128xf32, #tpu.memory_space<vmem>>
        %dma_wait3A_364 = arith.constant 0 : i32
        %dma_wait3A_365 = tpu.memref_slice %arg5[%dma_wait3A_354, %dma_wait3A_364] : memref<50x128xi32, #tpu.memory_space<vmem>> -> memref<1x128xi32, #tpu.memory_space<vmem>>
        %dma_wait3A_366 = tpu.memref_squeeze %dma_wait3A_365 : memref<1x128xi32, #tpu.memory_space<vmem>> -> memref<128xi32, #tpu.memory_space<vmem>>
        %dma_wait3A_367 = arith.constant 0 : i32
        %dma_wait3A_368 = arith.constant 0 : i32
        %dma_wait3A_369 = tpu.memref_slice %arg3[%dma_wait3A_367, %dma_wait3A_368] : memref<100000x128xf32, #tpu.memory_space<hbm>> -> memref<100000x128xf32, #tpu.memory_space<hbm>>
        %dma_wait3A_370 = tpu.memref_slice %arg7[%dma_wait3A_356] : memref<7x!tpu.dma_semaphore, #tpu.memory_space<semaphore_mem>> -> memref<1x!tpu.dma_semaphore, #tpu.memory_space<semaphore_mem>>
        %dma_wait3A_371 = tpu.memref_squeeze %dma_wait3A_370 : memref<1x!tpu.dma_semaphore, #tpu.memory_space<semaphore_mem>> -> memref<!tpu.dma_semaphore, #tpu.memory_space<semaphore_mem>>
        tpu.wait_indirect_dma semaphore(%dma_wait3A_371 : memref<!tpu.dma_semaphore, #tpu.memory_space<semaphore_mem>>) src(%dma_wait3A_369 : memref<100000x128xf32, #tpu.memory_space<hbm>>) dst(%dma_wait3A_363 : memref<128x128xf32, #tpu.memory_space<vmem>>)
        %mul3A_372 = arith.constant 128 : i32
        %mul3A_373 = arith.muli %add3A_237, %mul3A_372 : i32
        %add3A_374 = arith.addi %mul3A_2, %mul3A_373 : i32
        %dma_start3A_375 = arith.constant 2 : i32
        %dma_start3A_376 = arith.constant 2 : i32
        %dma_start3A_377 = arith.constant 0 : i32
        %dma_start3A_378 = arith.constant 0 : i32
        %dma_start3A_379 = tpu.memref_slice %arg6[%dma_start3A_375, %dma_start3A_377, %dma_start3A_378] : memref<7x128x128xf32, #tpu.memory_space<vmem>> -> memref<1x128x128xf32, #tpu.memory_space<vmem>>
        %dma_start3A_380 = tpu.memref_squeeze %dma_start3A_379 : memref<1x128x128xf32, #tpu.memory_space<vmem>> -> memref<128x128xf32, #tpu.memory_space<vmem>>
        %dma_start3A_381 = arith.constant 0 : i32
        %dma_start3A_382 = tpu.memref_slice %arg4[%add3A_374, %dma_start3A_381] : memref<204800x128xf32, #tpu.memory_space<hbm>> -> memref<128x128xf32, #tpu.memory_space<hbm>>
        %dma_start3A_383 = tpu.memref_slice %arg8[%dma_start3A_376] : memref<7x!tpu.dma_semaphore, #tpu.memory_space<semaphore_mem>> -> memref<1x!tpu.dma_semaphore, #tpu.memory_space<semaphore_mem>>
        %dma_start3A_384 = tpu.memref_squeeze %dma_start3A_383 : memref<1x!tpu.dma_semaphore, #tpu.memory_space<semaphore_mem>> -> memref<!tpu.dma_semaphore, #tpu.memory_space<semaphore_mem>>
        %dma_start3A_385 = arith.constant 0 : i32
        %dma_start3A_386 = tpu.memref_slice %arg4[%add3A_374, %dma_start3A_385] : memref<204800x128xf32, #tpu.memory_space<hbm>> -> memref<128x128xf32, #tpu.memory_space<hbm>>
        %dma_start3A_387 = arith.constant 0 : i32
        %dma_start3A_388 = arith.constant 0 : i32
        %dma_start3A_389 = tpu.memref_slice %arg6[%dma_start3A_375, %dma_start3A_387, %dma_start3A_388] : memref<7x128x128xf32, #tpu.memory_space<vmem>> -> memref<1x128x128xf32, #tpu.memory_space<vmem>>
        %dma_start3A_390 = tpu.memref_squeeze %dma_start3A_389 : memref<1x128x128xf32, #tpu.memory_space<vmem>> -> memref<128x128xf32, #tpu.memory_space<vmem>>
        tpu.enqueue_dma source(%dma_start3A_390 : memref<128x128xf32, #tpu.memory_space<vmem>>) target(%dma_start3A_386 : memref<128x128xf32, #tpu.memory_space<hbm>>) target_semaphore(%dma_start3A_384 : memref<!tpu.dma_semaphore, #tpu.memory_space<semaphore_mem>>)
      } else {
      }
      %mul3A_258 = arith.constant 7 : i32
      %mul3A_259 = arith.muli %scan3A_190, %mul3A_258 : i32
      %add3A_260 = arith.constant 3 : i32
      %add3A_261 = arith.addi %mul3A_259, %add3A_260 : i32
      %add3A_262 = arith.constant 4 : i32
      %add3A_263 = arith.addi %add3A_261, %add3A_262 : i32
      %ge3A_264 = arith.constant 7 : i32
      %ge3A_265 = arith.cmpi sge, %add3A_263, %ge3A_264 : i32
      %lt3A_266 = arith.constant 50 : i32
      %lt3A_267 = arith.cmpi slt, %add3A_263, %lt3A_266 : i32
      %and3A_268 = arith.andi %ge3A_265, %lt3A_267 : i1
      %convert_element_type3A_269 = arith.extui %and3A_268 : i1 to i32
      %cond3A_270 = arith.constant 0 : i32
      %cond3A_271 = arith.cmpi ne, %convert_element_type3A_269, %cond3A_270 : i32
      scf.if %cond3A_271 {
        %dma_wait3A_354 = arith.constant 0 : i32
        %dma_wait3A_355 = arith.constant 0 : i32
        %dma_wait3A_356 = arith.constant 0 : i32
        %dma_wait3A_357 = arith.constant 0 : i32
        %dma_wait3A_358 = tpu.memref_slice %arg6[%dma_wait3A_354, %dma_wait3A_356, %dma_wait3A_357] : memref<7x128x128xf32, #tpu.memory_space<vmem>> -> memref<1x128x128xf32, #tpu.memory_space<vmem>>
        %dma_wait3A_359 = tpu.memref_squeeze %dma_wait3A_358 : memref<1x128x128xf32, #tpu.memory_space<vmem>> -> memref<128x128xf32, #tpu.memory_space<vmem>>
        %dma_wait3A_360 = arith.constant 0 : i32
        %dma_wait3A_361 = tpu.memref_slice %arg4[%mul3A_2, %dma_wait3A_360] : memref<204800x128xf32, #tpu.memory_space<hbm>> -> memref<128x128xf32, #tpu.memory_space<hbm>>
        %dma_wait3A_362 = tpu.memref_slice %arg8[%dma_wait3A_355] : memref<7x!tpu.dma_semaphore, #tpu.memory_space<semaphore_mem>> -> memref<1x!tpu.dma_semaphore, #tpu.memory_space<semaphore_mem>>
        %dma_wait3A_363 = tpu.memref_squeeze %dma_wait3A_362 : memref<1x!tpu.dma_semaphore, #tpu.memory_space<semaphore_mem>> -> memref<!tpu.dma_semaphore, #tpu.memory_space<semaphore_mem>>
        %dma_wait3A_364 = arith.constant 0 : i32
        %dma_wait3A_365 = tpu.memref_slice %arg4[%mul3A_2, %dma_wait3A_364] : memref<204800x128xf32, #tpu.memory_space<hbm>> -> memref<128x128xf32, #tpu.memory_space<hbm>>
        %dma_wait3A_366 = arith.constant 0 : i32
        %dma_wait3A_367 = arith.constant 0 : i32
        %dma_wait3A_368 = tpu.memref_slice %arg6[%dma_wait3A_354, %dma_wait3A_366, %dma_wait3A_367] : memref<7x128x128xf32, #tpu.memory_space<vmem>> -> memref<1x128x128xf32, #tpu.memory_space<vmem>>
        %dma_wait3A_369 = tpu.memref_squeeze %dma_wait3A_368 : memref<1x128x128xf32, #tpu.memory_space<vmem>> -> memref<128x128xf32, #tpu.memory_space<vmem>>
        tpu.wait_dma2 semaphore(%dma_wait3A_363 : memref<!tpu.dma_semaphore, #tpu.memory_space<semaphore_mem>>) src(%dma_wait3A_369 : memref<128x128xf32, #tpu.memory_space<vmem>>) dst(%dma_wait3A_365 : memref<128x128xf32, #tpu.memory_space<hbm>>)
      } else {
      }
      %lt3A_272 = arith.constant 50 : i32
      %lt3A_273 = arith.cmpi slt, %add3A_263, %lt3A_272 : i32
      %convert_element_type3A_274 = arith.extui %lt3A_273 : i1 to i32
      %cond3A_275 = arith.constant 0 : i32
      %cond3A_276 = arith.cmpi ne, %convert_element_type3A_274, %cond3A_275 : i32
      scf.if %cond3A_276 {
        %mul3A_354 = arith.constant 1 : i32
        %mul3A_355 = arith.muli %add3A_263, %mul3A_354 : i32
        %add3A_356 = arith.constant 0 : i32
        %add3A_357 = arith.addi %mul3A_355, %add3A_356 : i32
        %dma_start3A_358 = arith.constant 0 : i32
        %dma_start3A_359 = arith.constant 0 : i32
        %dma_start3A_360 = arith.constant 0 : i32
        %dma_start3A_361 = arith.constant 0 : i32
        %dma_start3A_362 = tpu.memref_slice %arg6[%dma_start3A_358, %dma_start3A_360, %dma_start3A_361] : memref<7x128x128xf32, #tpu.memory_space<vmem>> -> memref<1x128x128xf32, #tpu.memory_space<vmem>>
        %dma_start3A_363 = tpu.memref_squeeze %dma_start3A_362 : memref<1x128x128xf32, #tpu.memory_space<vmem>> -> memref<128x128xf32, #tpu.memory_space<vmem>>
        %dma_start3A_364 = arith.constant 0 : i32
        %dma_start3A_365 = arith.constant 0 : i32
        %dma_start3A_366 = tpu.memref_slice %dma_start3A_363[%dma_start3A_364, %dma_start3A_365] : memref<128x128xf32, #tpu.memory_space<vmem>> -> memref<128x128xf32, #tpu.memory_space<vmem>>
        %dma_start3A_367 = arith.constant 0 : i32
        %dma_start3A_368 = tpu.memref_slice %arg5[%add3A_357, %dma_start3A_367] : memref<50x128xi32, #tpu.memory_space<vmem>> -> memref<1x128xi32, #tpu.memory_space<vmem>>
        %dma_start3A_369 = tpu.memref_squeeze %dma_start3A_368 : memref<1x128xi32, #tpu.memory_space<vmem>> -> memref<128xi32, #tpu.memory_space<vmem>>
        %dma_start3A_370 = arith.constant 0 : i32
        %dma_start3A_371 = arith.constant 0 : i32
        %dma_start3A_372 = tpu.memref_slice %arg3[%dma_start3A_370, %dma_start3A_371] : memref<100000x128xf32, #tpu.memory_space<hbm>> -> memref<100000x128xf32, #tpu.memory_space<hbm>>
        %dma_start3A_373 = tpu.memref_slice %arg7[%dma_start3A_359] : memref<7x!tpu.dma_semaphore, #tpu.memory_space<semaphore_mem>> -> memref<1x!tpu.dma_semaphore, #tpu.memory_space<semaphore_mem>>
        %dma_start3A_374 = tpu.memref_squeeze %dma_start3A_373 : memref<1x!tpu.dma_semaphore, #tpu.memory_space<semaphore_mem>> -> memref<!tpu.dma_semaphore, #tpu.memory_space<semaphore_mem>>
        tpu.enqueue_indirect_dma source(%dma_start3A_372 : memref<100000x128xf32, #tpu.memory_space<hbm>>) target(%dma_start3A_366 : memref<128x128xf32, #tpu.memory_space<vmem>>) offsets(%dma_start3A_369 : memref<128xi32, #tpu.memory_space<vmem>>) semaphore(%dma_start3A_374 : memref<!tpu.dma_semaphore, #tpu.memory_space<semaphore_mem>>)
      } else {
      }
      %lt3A_277 = arith.constant 50 : i32
      %lt3A_278 = arith.cmpi slt, %add3A_261, %lt3A_277 : i32
      %convert_element_type3A_279 = arith.extui %lt3A_278 : i1 to i32
      %cond3A_280 = arith.constant 0 : i32
      %cond3A_281 = arith.cmpi ne, %convert_element_type3A_279, %cond3A_280 : i32
      scf.if %cond3A_281 {
        %dma_wait3A_354 = arith.constant 0 : i32
        %dma_wait3A_355 = arith.constant 3 : i32
        %dma_wait3A_356 = arith.constant 3 : i32
        %dma_wait3A_357 = arith.constant 0 : i32
        %dma_wait3A_358 = arith.constant 0 : i32
        %dma_wait3A_359 = tpu.memref_slice %arg6[%dma_wait3A_355, %dma_wait3A_357, %dma_wait3A_358] : memref<7x128x128xf32, #tpu.memory_space<vmem>> -> memref<1x128x128xf32, #tpu.memory_space<vmem>>
        %dma_wait3A_360 = tpu.memref_squeeze %dma_wait3A_359 : memref<1x128x128xf32, #tpu.memory_space<vmem>> -> memref<128x128xf32, #tpu.memory_space<vmem>>
        %dma_wait3A_361 = arith.constant 0 : i32
        %dma_wait3A_362 = arith.constant 0 : i32
        %dma_wait3A_363 = tpu.memref_slice %dma_wait3A_360[%dma_wait3A_361, %dma_wait3A_362] : memref<128x128xf32, #tpu.memory_space<vmem>> -> memref<128x128xf32, #tpu.memory_space<vmem>>
        %dma_wait3A_364 = arith.constant 0 : i32
        %dma_wait3A_365 = tpu.memref_slice %arg5[%dma_wait3A_354, %dma_wait3A_364] : memref<50x128xi32, #tpu.memory_space<vmem>> -> memref<1x128xi32, #tpu.memory_space<vmem>>
        %dma_wait3A_366 = tpu.memref_squeeze %dma_wait3A_365 : memref<1x128xi32, #tpu.memory_space<vmem>> -> memref<128xi32, #tpu.memory_space<vmem>>
        %dma_wait3A_367 = arith.constant 0 : i32
        %dma_wait3A_368 = arith.constant 0 : i32
        %dma_wait3A_369 = tpu.memref_slice %arg3[%dma_wait3A_367, %dma_wait3A_368] : memref<100000x128xf32, #tpu.memory_space<hbm>> -> memref<100000x128xf32, #tpu.memory_space<hbm>>
        %dma_wait3A_370 = tpu.memref_slice %arg7[%dma_wait3A_356] : memref<7x!tpu.dma_semaphore, #tpu.memory_space<semaphore_mem>> -> memref<1x!tpu.dma_semaphore, #tpu.memory_space<semaphore_mem>>
        %dma_wait3A_371 = tpu.memref_squeeze %dma_wait3A_370 : memref<1x!tpu.dma_semaphore, #tpu.memory_space<semaphore_mem>> -> memref<!tpu.dma_semaphore, #tpu.memory_space<semaphore_mem>>
        tpu.wait_indirect_dma semaphore(%dma_wait3A_371 : memref<!tpu.dma_semaphore, #tpu.memory_space<semaphore_mem>>) src(%dma_wait3A_369 : memref<100000x128xf32, #tpu.memory_space<hbm>>) dst(%dma_wait3A_363 : memref<128x128xf32, #tpu.memory_space<vmem>>)
        %mul3A_372 = arith.constant 128 : i32
        %mul3A_373 = arith.muli %add3A_261, %mul3A_372 : i32
        %add3A_374 = arith.addi %mul3A_2, %mul3A_373 : i32
        %dma_start3A_375 = arith.constant 3 : i32
        %dma_start3A_376 = arith.constant 3 : i32
        %dma_start3A_377 = arith.constant 0 : i32
        %dma_start3A_378 = arith.constant 0 : i32
        %dma_start3A_379 = tpu.memref_slice %arg6[%dma_start3A_375, %dma_start3A_377, %dma_start3A_378] : memref<7x128x128xf32, #tpu.memory_space<vmem>> -> memref<1x128x128xf32, #tpu.memory_space<vmem>>
        %dma_start3A_380 = tpu.memref_squeeze %dma_start3A_379 : memref<1x128x128xf32, #tpu.memory_space<vmem>> -> memref<128x128xf32, #tpu.memory_space<vmem>>
        %dma_start3A_381 = arith.constant 0 : i32
        %dma_start3A_382 = tpu.memref_slice %arg4[%add3A_374, %dma_start3A_381] : memref<204800x128xf32, #tpu.memory_space<hbm>> -> memref<128x128xf32, #tpu.memory_space<hbm>>
        %dma_start3A_383 = tpu.memref_slice %arg8[%dma_start3A_376] : memref<7x!tpu.dma_semaphore, #tpu.memory_space<semaphore_mem>> -> memref<1x!tpu.dma_semaphore, #tpu.memory_space<semaphore_mem>>
        %dma_start3A_384 = tpu.memref_squeeze %dma_start3A_383 : memref<1x!tpu.dma_semaphore, #tpu.memory_space<semaphore_mem>> -> memref<!tpu.dma_semaphore, #tpu.memory_space<semaphore_mem>>
        %dma_start3A_385 = arith.constant 0 : i32
        %dma_start3A_386 = tpu.memref_slice %arg4[%add3A_374, %dma_start3A_385] : memref<204800x128xf32, #tpu.memory_space<hbm>> -> memref<128x128xf32, #tpu.memory_space<hbm>>
        %dma_start3A_387 = arith.constant 0 : i32
        %dma_start3A_388 = arith.constant 0 : i32
        %dma_start3A_389 = tpu.memref_slice %arg6[%dma_start3A_375, %dma_start3A_387, %dma_start3A_388] : memref<7x128x128xf32, #tpu.memory_space<vmem>> -> memref<1x128x128xf32, #tpu.memory_space<vmem>>
        %dma_start3A_390 = tpu.memref_squeeze %dma_start3A_389 : memref<1x128x128xf32, #tpu.memory_space<vmem>> -> memref<128x128xf32, #tpu.memory_space<vmem>>
        tpu.enqueue_dma source(%dma_start3A_390 : memref<128x128xf32, #tpu.memory_space<vmem>>) target(%dma_start3A_386 : memref<128x128xf32, #tpu.memory_space<hbm>>) target_semaphore(%dma_start3A_384 : memref<!tpu.dma_semaphore, #tpu.memory_space<semaphore_mem>>)
      } else {
      }
      %mul3A_282 = arith.constant 7 : i32
      %mul3A_283 = arith.muli %scan3A_190, %mul3A_282 : i32
      %add3A_284 = arith.constant 4 : i32
      %add3A_285 = arith.addi %mul3A_283, %add3A_284 : i32
      %add3A_286 = arith.constant 4 : i32
      %add3A_287 = arith.addi %add3A_285, %add3A_286 : i32
      %ge3A_288 = arith.constant 7 : i32
      %ge3A_289 = arith.cmpi sge, %add3A_287, %ge3A_288 : i32
      %lt3A_290 = arith.constant 50 : i32
      %lt3A_291 = arith.cmpi slt, %add3A_287, %lt3A_290 : i32
      %and3A_292 = arith.andi %ge3A_289, %lt3A_291 : i1
      %convert_element_type3A_293 = arith.extui %and3A_292 : i1 to i32
      %cond3A_294 = arith.constant 0 : i32
      %cond3A_295 = arith.cmpi ne, %convert_element_type3A_293, %cond3A_294 : i32
      scf.if %cond3A_295 {
        %dma_wait3A_354 = arith.constant 1 : i32
        %dma_wait3A_355 = arith.constant 1 : i32
        %dma_wait3A_356 = arith.constant 0 : i32
        %dma_wait3A_357 = arith.constant 0 : i32
        %dma_wait3A_358 = tpu.memref_slice %arg6[%dma_wait3A_354, %dma_wait3A_356, %dma_wait3A_357] : memref<7x128x128xf32, #tpu.memory_space<vmem>> -> memref<1x128x128xf32, #tpu.memory_space<vmem>>
        %dma_wait3A_359 = tpu.memref_squeeze %dma_wait3A_358 : memref<1x128x128xf32, #tpu.memory_space<vmem>> -> memref<128x128xf32, #tpu.memory_space<vmem>>
        %dma_wait3A_360 = arith.constant 0 : i32
        %dma_wait3A_361 = tpu.memref_slice %arg4[%mul3A_2, %dma_wait3A_360] : memref<204800x128xf32, #tpu.memory_space<hbm>> -> memref<128x128xf32, #tpu.memory_space<hbm>>
        %dma_wait3A_362 = tpu.memref_slice %arg8[%dma_wait3A_355] : memref<7x!tpu.dma_semaphore, #tpu.memory_space<semaphore_mem>> -> memref<1x!tpu.dma_semaphore, #tpu.memory_space<semaphore_mem>>
        %dma_wait3A_363 = tpu.memref_squeeze %dma_wait3A_362 : memref<1x!tpu.dma_semaphore, #tpu.memory_space<semaphore_mem>> -> memref<!tpu.dma_semaphore, #tpu.memory_space<semaphore_mem>>
        %dma_wait3A_364 = arith.constant 0 : i32
        %dma_wait3A_365 = tpu.memref_slice %arg4[%mul3A_2, %dma_wait3A_364] : memref<204800x128xf32, #tpu.memory_space<hbm>> -> memref<128x128xf32, #tpu.memory_space<hbm>>
        %dma_wait3A_366 = arith.constant 0 : i32
        %dma_wait3A_367 = arith.constant 0 : i32
        %dma_wait3A_368 = tpu.memref_slice %arg6[%dma_wait3A_354, %dma_wait3A_366, %dma_wait3A_367] : memref<7x128x128xf32, #tpu.memory_space<vmem>> -> memref<1x128x128xf32, #tpu.memory_space<vmem>>
        %dma_wait3A_369 = tpu.memref_squeeze %dma_wait3A_368 : memref<1x128x128xf32, #tpu.memory_space<vmem>> -> memref<128x128xf32, #tpu.memory_space<vmem>>
        tpu.wait_dma2 semaphore(%dma_wait3A_363 : memref<!tpu.dma_semaphore, #tpu.memory_space<semaphore_mem>>) src(%dma_wait3A_369 : memref<128x128xf32, #tpu.memory_space<vmem>>) dst(%dma_wait3A_365 : memref<128x128xf32, #tpu.memory_space<hbm>>)
      } else {
      }
      %lt3A_296 = arith.constant 50 : i32
      %lt3A_297 = arith.cmpi slt, %add3A_287, %lt3A_296 : i32
      %convert_element_type3A_298 = arith.extui %lt3A_297 : i1 to i32
      %cond3A_299 = arith.constant 0 : i32
      %cond3A_300 = arith.cmpi ne, %convert_element_type3A_298, %cond3A_299 : i32
      scf.if %cond3A_300 {
        %mul3A_354 = arith.constant 1 : i32
        %mul3A_355 = arith.muli %add3A_287, %mul3A_354 : i32
        %add3A_356 = arith.constant 0 : i32
        %add3A_357 = arith.addi %mul3A_355, %add3A_356 : i32
        %dma_start3A_358 = arith.constant 1 : i32
        %dma_start3A_359 = arith.constant 1 : i32
        %dma_start3A_360 = arith.constant 0 : i32
        %dma_start3A_361 = arith.constant 0 : i32
        %dma_start3A_362 = tpu.memref_slice %arg6[%dma_start3A_358, %dma_start3A_360, %dma_start3A_361] : memref<7x128x128xf32, #tpu.memory_space<vmem>> -> memref<1x128x128xf32, #tpu.memory_space<vmem>>
        %dma_start3A_363 = tpu.memref_squeeze %dma_start3A_362 : memref<1x128x128xf32, #tpu.memory_space<vmem>> -> memref<128x128xf32, #tpu.memory_space<vmem>>
        %dma_start3A_364 = arith.constant 0 : i32
        %dma_start3A_365 = arith.constant 0 : i32
        %dma_start3A_366 = tpu.memref_slice %dma_start3A_363[%dma_start3A_364, %dma_start3A_365] : memref<128x128xf32, #tpu.memory_space<vmem>> -> memref<128x128xf32, #tpu.memory_space<vmem>>
        %dma_start3A_367 = arith.constant 0 : i32
        %dma_start3A_368 = tpu.memref_slice %arg5[%add3A_357, %dma_start3A_367] : memref<50x128xi32, #tpu.memory_space<vmem>> -> memref<1x128xi32, #tpu.memory_space<vmem>>
        %dma_start3A_369 = tpu.memref_squeeze %dma_start3A_368 : memref<1x128xi32, #tpu.memory_space<vmem>> -> memref<128xi32, #tpu.memory_space<vmem>>
        %dma_start3A_370 = arith.constant 0 : i32
        %dma_start3A_371 = arith.constant 0 : i32
        %dma_start3A_372 = tpu.memref_slice %arg3[%dma_start3A_370, %dma_start3A_371] : memref<100000x128xf32, #tpu.memory_space<hbm>> -> memref<100000x128xf32, #tpu.memory_space<hbm>>
        %dma_start3A_373 = tpu.memref_slice %arg7[%dma_start3A_359] : memref<7x!tpu.dma_semaphore, #tpu.memory_space<semaphore_mem>> -> memref<1x!tpu.dma_semaphore, #tpu.memory_space<semaphore_mem>>
        %dma_start3A_374 = tpu.memref_squeeze %dma_start3A_373 : memref<1x!tpu.dma_semaphore, #tpu.memory_space<semaphore_mem>> -> memref<!tpu.dma_semaphore, #tpu.memory_space<semaphore_mem>>
        tpu.enqueue_indirect_dma source(%dma_start3A_372 : memref<100000x128xf32, #tpu.memory_space<hbm>>) target(%dma_start3A_366 : memref<128x128xf32, #tpu.memory_space<vmem>>) offsets(%dma_start3A_369 : memref<128xi32, #tpu.memory_space<vmem>>) semaphore(%dma_start3A_374 : memref<!tpu.dma_semaphore, #tpu.memory_space<semaphore_mem>>)
      } else {
      }
      %lt3A_301 = arith.constant 50 : i32
      %lt3A_302 = arith.cmpi slt, %add3A_285, %lt3A_301 : i32
      %convert_element_type3A_303 = arith.extui %lt3A_302 : i1 to i32
      %cond3A_304 = arith.constant 0 : i32
      %cond3A_305 = arith.cmpi ne, %convert_element_type3A_303, %cond3A_304 : i32
      scf.if %cond3A_305 {
        %dma_wait3A_354 = arith.constant 0 : i32
        %dma_wait3A_355 = arith.constant 4 : i32
        %dma_wait3A_356 = arith.constant 4 : i32
        %dma_wait3A_357 = arith.constant 0 : i32
        %dma_wait3A_358 = arith.constant 0 : i32
        %dma_wait3A_359 = tpu.memref_slice %arg6[%dma_wait3A_355, %dma_wait3A_357, %dma_wait3A_358] : memref<7x128x128xf32, #tpu.memory_space<vmem>> -> memref<1x128x128xf32, #tpu.memory_space<vmem>>
        %dma_wait3A_360 = tpu.memref_squeeze %dma_wait3A_359 : memref<1x128x128xf32, #tpu.memory_space<vmem>> -> memref<128x128xf32, #tpu.memory_space<vmem>>
        %dma_wait3A_361 = arith.constant 0 : i32
        %dma_wait3A_362 = arith.constant 0 : i32
        %dma_wait3A_363 = tpu.memref_slice %dma_wait3A_360[%dma_wait3A_361, %dma_wait3A_362] : memref<128x128xf32, #tpu.memory_space<vmem>> -> memref<128x128xf32, #tpu.memory_space<vmem>>
        %dma_wait3A_364 = arith.constant 0 : i32
        %dma_wait3A_365 = tpu.memref_slice %arg5[%dma_wait3A_354, %dma_wait3A_364] : memref<50x128xi32, #tpu.memory_space<vmem>> -> memref<1x128xi32, #tpu.memory_space<vmem>>
        %dma_wait3A_366 = tpu.memref_squeeze %dma_wait3A_365 : memref<1x128xi32, #tpu.memory_space<vmem>> -> memref<128xi32, #tpu.memory_space<vmem>>
        %dma_wait3A_367 = arith.constant 0 : i32
        %dma_wait3A_368 = arith.constant 0 : i32
        %dma_wait3A_369 = tpu.memref_slice %arg3[%dma_wait3A_367, %dma_wait3A_368] : memref<100000x128xf32, #tpu.memory_space<hbm>> -> memref<100000x128xf32, #tpu.memory_space<hbm>>
        %dma_wait3A_370 = tpu.memref_slice %arg7[%dma_wait3A_356] : memref<7x!tpu.dma_semaphore, #tpu.memory_space<semaphore_mem>> -> memref<1x!tpu.dma_semaphore, #tpu.memory_space<semaphore_mem>>
        %dma_wait3A_371 = tpu.memref_squeeze %dma_wait3A_370 : memref<1x!tpu.dma_semaphore, #tpu.memory_space<semaphore_mem>> -> memref<!tpu.dma_semaphore, #tpu.memory_space<semaphore_mem>>
        tpu.wait_indirect_dma semaphore(%dma_wait3A_371 : memref<!tpu.dma_semaphore, #tpu.memory_space<semaphore_mem>>) src(%dma_wait3A_369 : memref<100000x128xf32, #tpu.memory_space<hbm>>) dst(%dma_wait3A_363 : memref<128x128xf32, #tpu.memory_space<vmem>>)
        %mul3A_372 = arith.constant 128 : i32
        %mul3A_373 = arith.muli %add3A_285, %mul3A_372 : i32
        %add3A_374 = arith.addi %mul3A_2, %mul3A_373 : i32
        %dma_start3A_375 = arith.constant 4 : i32
        %dma_start3A_376 = arith.constant 4 : i32
        %dma_start3A_377 = arith.constant 0 : i32
        %dma_start3A_378 = arith.constant 0 : i32
        %dma_start3A_379 = tpu.memref_slice %arg6[%dma_start3A_375, %dma_start3A_377, %dma_start3A_378] : memref<7x128x128xf32, #tpu.memory_space<vmem>> -> memref<1x128x128xf32, #tpu.memory_space<vmem>>
        %dma_start3A_380 = tpu.memref_squeeze %dma_start3A_379 : memref<1x128x128xf32, #tpu.memory_space<vmem>> -> memref<128x128xf32, #tpu.memory_space<vmem>>
        %dma_start3A_381 = arith.constant 0 : i32
        %dma_start3A_382 = tpu.memref_slice %arg4[%add3A_374, %dma_start3A_381] : memref<204800x128xf32, #tpu.memory_space<hbm>> -> memref<128x128xf32, #tpu.memory_space<hbm>>
        %dma_start3A_383 = tpu.memref_slice %arg8[%dma_start3A_376] : memref<7x!tpu.dma_semaphore, #tpu.memory_space<semaphore_mem>> -> memref<1x!tpu.dma_semaphore, #tpu.memory_space<semaphore_mem>>
        %dma_start3A_384 = tpu.memref_squeeze %dma_start3A_383 : memref<1x!tpu.dma_semaphore, #tpu.memory_space<semaphore_mem>> -> memref<!tpu.dma_semaphore, #tpu.memory_space<semaphore_mem>>
        %dma_start3A_385 = arith.constant 0 : i32
        %dma_start3A_386 = tpu.memref_slice %arg4[%add3A_374, %dma_start3A_385] : memref<204800x128xf32, #tpu.memory_space<hbm>> -> memref<128x128xf32, #tpu.memory_space<hbm>>
        %dma_start3A_387 = arith.constant 0 : i32
        %dma_start3A_388 = arith.constant 0 : i32
        %dma_start3A_389 = tpu.memref_slice %arg6[%dma_start3A_375, %dma_start3A_387, %dma_start3A_388] : memref<7x128x128xf32, #tpu.memory_space<vmem>> -> memref<1x128x128xf32, #tpu.memory_space<vmem>>
        %dma_start3A_390 = tpu.memref_squeeze %dma_start3A_389 : memref<1x128x128xf32, #tpu.memory_space<vmem>> -> memref<128x128xf32, #tpu.memory_space<vmem>>
        tpu.enqueue_dma source(%dma_start3A_390 : memref<128x128xf32, #tpu.memory_space<vmem>>) target(%dma_start3A_386 : memref<128x128xf32, #tpu.memory_space<hbm>>) target_semaphore(%dma_start3A_384 : memref<!tpu.dma_semaphore, #tpu.memory_space<semaphore_mem>>)
      } else {
      }
      %mul3A_306 = arith.constant 7 : i32
      %mul3A_307 = arith.muli %scan3A_190, %mul3A_306 : i32
      %add3A_308 = arith.constant 5 : i32
      %add3A_309 = arith.addi %mul3A_307, %add3A_308 : i32
      %add3A_310 = arith.constant 4 : i32
      %add3A_311 = arith.addi %add3A_309, %add3A_310 : i32
      %ge3A_312 = arith.constant 7 : i32
      %ge3A_313 = arith.cmpi sge, %add3A_311, %ge3A_312 : i32
      %lt3A_314 = arith.constant 50 : i32
      %lt3A_315 = arith.cmpi slt, %add3A_311, %lt3A_314 : i32
      %and3A_316 = arith.andi %ge3A_313, %lt3A_315 : i1
      %convert_element_type3A_317 = arith.extui %and3A_316 : i1 to i32
      %cond3A_318 = arith.constant 0 : i32
      %cond3A_319 = arith.cmpi ne, %convert_element_type3A_317, %cond3A_318 : i32
      scf.if %cond3A_319 {
        %dma_wait3A_354 = arith.constant 2 : i32
        %dma_wait3A_355 = arith.constant 2 : i32
        %dma_wait3A_356 = arith.constant 0 : i32
        %dma_wait3A_357 = arith.constant 0 : i32
        %dma_wait3A_358 = tpu.memref_slice %arg6[%dma_wait3A_354, %dma_wait3A_356, %dma_wait3A_357] : memref<7x128x128xf32, #tpu.memory_space<vmem>> -> memref<1x128x128xf32, #tpu.memory_space<vmem>>
        %dma_wait3A_359 = tpu.memref_squeeze %dma_wait3A_358 : memref<1x128x128xf32, #tpu.memory_space<vmem>> -> memref<128x128xf32, #tpu.memory_space<vmem>>
        %dma_wait3A_360 = arith.constant 0 : i32
        %dma_wait3A_361 = tpu.memref_slice %arg4[%mul3A_2, %dma_wait3A_360] : memref<204800x128xf32, #tpu.memory_space<hbm>> -> memref<128x128xf32, #tpu.memory_space<hbm>>
        %dma_wait3A_362 = tpu.memref_slice %arg8[%dma_wait3A_355] : memref<7x!tpu.dma_semaphore, #tpu.memory_space<semaphore_mem>> -> memref<1x!tpu.dma_semaphore, #tpu.memory_space<semaphore_mem>>
        %dma_wait3A_363 = tpu.memref_squeeze %dma_wait3A_362 : memref<1x!tpu.dma_semaphore, #tpu.memory_space<semaphore_mem>> -> memref<!tpu.dma_semaphore, #tpu.memory_space<semaphore_mem>>
        %dma_wait3A_364 = arith.constant 0 : i32
        %dma_wait3A_365 = tpu.memref_slice %arg4[%mul3A_2, %dma_wait3A_364] : memref<204800x128xf32, #tpu.memory_space<hbm>> -> memref<128x128xf32, #tpu.memory_space<hbm>>
        %dma_wait3A_366 = arith.constant 0 : i32
        %dma_wait3A_367 = arith.constant 0 : i32
        %dma_wait3A_368 = tpu.memref_slice %arg6[%dma_wait3A_354, %dma_wait3A_366, %dma_wait3A_367] : memref<7x128x128xf32, #tpu.memory_space<vmem>> -> memref<1x128x128xf32, #tpu.memory_space<vmem>>
        %dma_wait3A_369 = tpu.memref_squeeze %dma_wait3A_368 : memref<1x128x128xf32, #tpu.memory_space<vmem>> -> memref<128x128xf32, #tpu.memory_space<vmem>>
        tpu.wait_dma2 semaphore(%dma_wait3A_363 : memref<!tpu.dma_semaphore, #tpu.memory_space<semaphore_mem>>) src(%dma_wait3A_369 : memref<128x128xf32, #tpu.memory_space<vmem>>) dst(%dma_wait3A_365 : memref<128x128xf32, #tpu.memory_space<hbm>>)
      } else {
      }
      %lt3A_320 = arith.constant 50 : i32
      %lt3A_321 = arith.cmpi slt, %add3A_311, %lt3A_320 : i32
      %convert_element_type3A_322 = arith.extui %lt3A_321 : i1 to i32
      %cond3A_323 = arith.constant 0 : i32
      %cond3A_324 = arith.cmpi ne, %convert_element_type3A_322, %cond3A_323 : i32
      scf.if %cond3A_324 {
        %mul3A_354 = arith.constant 1 : i32
        %mul3A_355 = arith.muli %add3A_311, %mul3A_354 : i32
        %add3A_356 = arith.constant 0 : i32
        %add3A_357 = arith.addi %mul3A_355, %add3A_356 : i32
        %dma_start3A_358 = arith.constant 2 : i32
        %dma_start3A_359 = arith.constant 2 : i32
        %dma_start3A_360 = arith.constant 0 : i32
        %dma_start3A_361 = arith.constant 0 : i32
        %dma_start3A_362 = tpu.memref_slice %arg6[%dma_start3A_358, %dma_start3A_360, %dma_start3A_361] : memref<7x128x128xf32, #tpu.memory_space<vmem>> -> memref<1x128x128xf32, #tpu.memory_space<vmem>>
        %dma_start3A_363 = tpu.memref_squeeze %dma_start3A_362 : memref<1x128x128xf32, #tpu.memory_space<vmem>> -> memref<128x128xf32, #tpu.memory_space<vmem>>
        %dma_start3A_364 = arith.constant 0 : i32
        %dma_start3A_365 = arith.constant 0 : i32
        %dma_start3A_366 = tpu.memref_slice %dma_start3A_363[%dma_start3A_364, %dma_start3A_365] : memref<128x128xf32, #tpu.memory_space<vmem>> -> memref<128x128xf32, #tpu.memory_space<vmem>>
        %dma_start3A_367 = arith.constant 0 : i32
        %dma_start3A_368 = tpu.memref_slice %arg5[%add3A_357, %dma_start3A_367] : memref<50x128xi32, #tpu.memory_space<vmem>> -> memref<1x128xi32, #tpu.memory_space<vmem>>
        %dma_start3A_369 = tpu.memref_squeeze %dma_start3A_368 : memref<1x128xi32, #tpu.memory_space<vmem>> -> memref<128xi32, #tpu.memory_space<vmem>>
        %dma_start3A_370 = arith.constant 0 : i32
        %dma_start3A_371 = arith.constant 0 : i32
        %dma_start3A_372 = tpu.memref_slice %arg3[%dma_start3A_370, %dma_start3A_371] : memref<100000x128xf32, #tpu.memory_space<hbm>> -> memref<100000x128xf32, #tpu.memory_space<hbm>>
        %dma_start3A_373 = tpu.memref_slice %arg7[%dma_start3A_359] : memref<7x!tpu.dma_semaphore, #tpu.memory_space<semaphore_mem>> -> memref<1x!tpu.dma_semaphore, #tpu.memory_space<semaphore_mem>>
        %dma_start3A_374 = tpu.memref_squeeze %dma_start3A_373 : memref<1x!tpu.dma_semaphore, #tpu.memory_space<semaphore_mem>> -> memref<!tpu.dma_semaphore, #tpu.memory_space<semaphore_mem>>
        tpu.enqueue_indirect_dma source(%dma_start3A_372 : memref<100000x128xf32, #tpu.memory_space<hbm>>) target(%dma_start3A_366 : memref<128x128xf32, #tpu.memory_space<vmem>>) offsets(%dma_start3A_369 : memref<128xi32, #tpu.memory_space<vmem>>) semaphore(%dma_start3A_374 : memref<!tpu.dma_semaphore, #tpu.memory_space<semaphore_mem>>)
      } else {
      }
      %lt3A_325 = arith.constant 50 : i32
      %lt3A_326 = arith.cmpi slt, %add3A_309, %lt3A_325 : i32
      %convert_element_type3A_327 = arith.extui %lt3A_326 : i1 to i32
      %cond3A_328 = arith.constant 0 : i32
      %cond3A_329 = arith.cmpi ne, %convert_element_type3A_327, %cond3A_328 : i32
      scf.if %cond3A_329 {
        %dma_wait3A_354 = arith.constant 0 : i32
        %dma_wait3A_355 = arith.constant 5 : i32
        %dma_wait3A_356 = arith.constant 5 : i32
        %dma_wait3A_357 = arith.constant 0 : i32
        %dma_wait3A_358 = arith.constant 0 : i32
        %dma_wait3A_359 = tpu.memref_slice %arg6[%dma_wait3A_355, %dma_wait3A_357, %dma_wait3A_358] : memref<7x128x128xf32, #tpu.memory_space<vmem>> -> memref<1x128x128xf32, #tpu.memory_space<vmem>>
        %dma_wait3A_360 = tpu.memref_squeeze %dma_wait3A_359 : memref<1x128x128xf32, #tpu.memory_space<vmem>> -> memref<128x128xf32, #tpu.memory_space<vmem>>
        %dma_wait3A_361 = arith.constant 0 : i32
        %dma_wait3A_362 = arith.constant 0 : i32
        %dma_wait3A_363 = tpu.memref_slice %dma_wait3A_360[%dma_wait3A_361, %dma_wait3A_362] : memref<128x128xf32, #tpu.memory_space<vmem>> -> memref<128x128xf32, #tpu.memory_space<vmem>>
        %dma_wait3A_364 = arith.constant 0 : i32
        %dma_wait3A_365 = tpu.memref_slice %arg5[%dma_wait3A_354, %dma_wait3A_364] : memref<50x128xi32, #tpu.memory_space<vmem>> -> memref<1x128xi32, #tpu.memory_space<vmem>>
        %dma_wait3A_366 = tpu.memref_squeeze %dma_wait3A_365 : memref<1x128xi32, #tpu.memory_space<vmem>> -> memref<128xi32, #tpu.memory_space<vmem>>
        %dma_wait3A_367 = arith.constant 0 : i32
        %dma_wait3A_368 = arith.constant 0 : i32
        %dma_wait3A_369 = tpu.memref_slice %arg3[%dma_wait3A_367, %dma_wait3A_368] : memref<100000x128xf32, #tpu.memory_space<hbm>> -> memref<100000x128xf32, #tpu.memory_space<hbm>>
        %dma_wait3A_370 = tpu.memref_slice %arg7[%dma_wait3A_356] : memref<7x!tpu.dma_semaphore, #tpu.memory_space<semaphore_mem>> -> memref<1x!tpu.dma_semaphore, #tpu.memory_space<semaphore_mem>>
        %dma_wait3A_371 = tpu.memref_squeeze %dma_wait3A_370 : memref<1x!tpu.dma_semaphore, #tpu.memory_space<semaphore_mem>> -> memref<!tpu.dma_semaphore, #tpu.memory_space<semaphore_mem>>
        tpu.wait_indirect_dma semaphore(%dma_wait3A_371 : memref<!tpu.dma_semaphore, #tpu.memory_space<semaphore_mem>>) src(%dma_wait3A_369 : memref<100000x128xf32, #tpu.memory_space<hbm>>) dst(%dma_wait3A_363 : memref<128x128xf32, #tpu.memory_space<vmem>>)
        %mul3A_372 = arith.constant 128 : i32
        %mul3A_373 = arith.muli %add3A_309, %mul3A_372 : i32
        %add3A_374 = arith.addi %mul3A_2, %mul3A_373 : i32
        %dma_start3A_375 = arith.constant 5 : i32
        %dma_start3A_376 = arith.constant 5 : i32
        %dma_start3A_377 = arith.constant 0 : i32
        %dma_start3A_378 = arith.constant 0 : i32
        %dma_start3A_379 = tpu.memref_slice %arg6[%dma_start3A_375, %dma_start3A_377, %dma_start3A_378] : memref<7x128x128xf32, #tpu.memory_space<vmem>> -> memref<1x128x128xf32, #tpu.memory_space<vmem>>
        %dma_start3A_380 = tpu.memref_squeeze %dma_start3A_379 : memref<1x128x128xf32, #tpu.memory_space<vmem>> -> memref<128x128xf32, #tpu.memory_space<vmem>>
        %dma_start3A_381 = arith.constant 0 : i32
        %dma_start3A_382 = tpu.memref_slice %arg4[%add3A_374, %dma_start3A_381] : memref<204800x128xf32, #tpu.memory_space<hbm>> -> memref<128x128xf32, #tpu.memory_space<hbm>>
        %dma_start3A_383 = tpu.memref_slice %arg8[%dma_start3A_376] : memref<7x!tpu.dma_semaphore, #tpu.memory_space<semaphore_mem>> -> memref<1x!tpu.dma_semaphore, #tpu.memory_space<semaphore_mem>>
        %dma_start3A_384 = tpu.memref_squeeze %dma_start3A_383 : memref<1x!tpu.dma_semaphore, #tpu.memory_space<semaphore_mem>> -> memref<!tpu.dma_semaphore, #tpu.memory_space<semaphore_mem>>
        %dma_start3A_385 = arith.constant 0 : i32
        %dma_start3A_386 = tpu.memref_slice %arg4[%add3A_374, %dma_start3A_385] : memref<204800x128xf32, #tpu.memory_space<hbm>> -> memref<128x128xf32, #tpu.memory_space<hbm>>
        %dma_start3A_387 = arith.constant 0 : i32
        %dma_start3A_388 = arith.constant 0 : i32
        %dma_start3A_389 = tpu.memref_slice %arg6[%dma_start3A_375, %dma_start3A_387, %dma_start3A_388] : memref<7x128x128xf32, #tpu.memory_space<vmem>> -> memref<1x128x128xf32, #tpu.memory_space<vmem>>
        %dma_start3A_390 = tpu.memref_squeeze %dma_start3A_389 : memref<1x128x128xf32, #tpu.memory_space<vmem>> -> memref<128x128xf32, #tpu.memory_space<vmem>>
        tpu.enqueue_dma source(%dma_start3A_390 : memref<128x128xf32, #tpu.memory_space<vmem>>) target(%dma_start3A_386 : memref<128x128xf32, #tpu.memory_space<hbm>>) target_semaphore(%dma_start3A_384 : memref<!tpu.dma_semaphore, #tpu.memory_space<semaphore_mem>>)
      } else {
      }
      %mul3A_330 = arith.constant 7 : i32
      %mul3A_331 = arith.muli %scan3A_190, %mul3A_330 : i32
      %add3A_332 = arith.constant 6 : i32
      %add3A_333 = arith.addi %mul3A_331, %add3A_332 : i32
      %add3A_334 = arith.constant 4 : i32
      %add3A_335 = arith.addi %add3A_333, %add3A_334 : i32
      %ge3A_336 = arith.constant 7 : i32
      %ge3A_337 = arith.cmpi sge, %add3A_335, %ge3A_336 : i32
      %lt3A_338 = arith.constant 50 : i32
      %lt3A_339 = arith.cmpi slt, %add3A_335, %lt3A_338 : i32
      %and3A_340 = arith.andi %ge3A_337, %lt3A_339 : i1
      %convert_element_type3A_341 = arith.extui %and3A_340 : i1 to i32
      %cond3A_342 = arith.constant 0 : i32
      %cond3A_343 = arith.cmpi ne, %convert_element_type3A_341, %cond3A_342 : i32
      scf.if %cond3A_343 {
        %dma_wait3A_354 = arith.constant 3 : i32
        %dma_wait3A_355 = arith.constant 3 : i32
        %dma_wait3A_356 = arith.constant 0 : i32
        %dma_wait3A_357 = arith.constant 0 : i32
        %dma_wait3A_358 = tpu.memref_slice %arg6[%dma_wait3A_354, %dma_wait3A_356, %dma_wait3A_357] : memref<7x128x128xf32, #tpu.memory_space<vmem>> -> memref<1x128x128xf32, #tpu.memory_space<vmem>>
        %dma_wait3A_359 = tpu.memref_squeeze %dma_wait3A_358 : memref<1x128x128xf32, #tpu.memory_space<vmem>> -> memref<128x128xf32, #tpu.memory_space<vmem>>
        %dma_wait3A_360 = arith.constant 0 : i32
        %dma_wait3A_361 = tpu.memref_slice %arg4[%mul3A_2, %dma_wait3A_360] : memref<204800x128xf32, #tpu.memory_space<hbm>> -> memref<128x128xf32, #tpu.memory_space<hbm>>
        %dma_wait3A_362 = tpu.memref_slice %arg8[%dma_wait3A_355] : memref<7x!tpu.dma_semaphore, #tpu.memory_space<semaphore_mem>> -> memref<1x!tpu.dma_semaphore, #tpu.memory_space<semaphore_mem>>
        %dma_wait3A_363 = tpu.memref_squeeze %dma_wait3A_362 : memref<1x!tpu.dma_semaphore, #tpu.memory_space<semaphore_mem>> -> memref<!tpu.dma_semaphore, #tpu.memory_space<semaphore_mem>>
        %dma_wait3A_364 = arith.constant 0 : i32
        %dma_wait3A_365 = tpu.memref_slice %arg4[%mul3A_2, %dma_wait3A_364] : memref<204800x128xf32, #tpu.memory_space<hbm>> -> memref<128x128xf32, #tpu.memory_space<hbm>>
        %dma_wait3A_366 = arith.constant 0 : i32
        %dma_wait3A_367 = arith.constant 0 : i32
        %dma_wait3A_368 = tpu.memref_slice %arg6[%dma_wait3A_354, %dma_wait3A_366, %dma_wait3A_367] : memref<7x128x128xf32, #tpu.memory_space<vmem>> -> memref<1x128x128xf32, #tpu.memory_space<vmem>>
        %dma_wait3A_369 = tpu.memref_squeeze %dma_wait3A_368 : memref<1x128x128xf32, #tpu.memory_space<vmem>> -> memref<128x128xf32, #tpu.memory_space<vmem>>
        tpu.wait_dma2 semaphore(%dma_wait3A_363 : memref<!tpu.dma_semaphore, #tpu.memory_space<semaphore_mem>>) src(%dma_wait3A_369 : memref<128x128xf32, #tpu.memory_space<vmem>>) dst(%dma_wait3A_365 : memref<128x128xf32, #tpu.memory_space<hbm>>)
      } else {
      }
      %lt3A_344 = arith.constant 50 : i32
      %lt3A_345 = arith.cmpi slt, %add3A_335, %lt3A_344 : i32
      %convert_element_type3A_346 = arith.extui %lt3A_345 : i1 to i32
      %cond3A_347 = arith.constant 0 : i32
      %cond3A_348 = arith.cmpi ne, %convert_element_type3A_346, %cond3A_347 : i32
      scf.if %cond3A_348 {
        %mul3A_354 = arith.constant 1 : i32
        %mul3A_355 = arith.muli %add3A_335, %mul3A_354 : i32
        %add3A_356 = arith.constant 0 : i32
        %add3A_357 = arith.addi %mul3A_355, %add3A_356 : i32
        %dma_start3A_358 = arith.constant 3 : i32
        %dma_start3A_359 = arith.constant 3 : i32
        %dma_start3A_360 = arith.constant 0 : i32
        %dma_start3A_361 = arith.constant 0 : i32
        %dma_start3A_362 = tpu.memref_slice %arg6[%dma_start3A_358, %dma_start3A_360, %dma_start3A_361] : memref<7x128x128xf32, #tpu.memory_space<vmem>> -> memref<1x128x128xf32, #tpu.memory_space<vmem>>
        %dma_start3A_363 = tpu.memref_squeeze %dma_start3A_362 : memref<1x128x128xf32, #tpu.memory_space<vmem>> -> memref<128x128xf32, #tpu.memory_space<vmem>>
        %dma_start3A_364 = arith.constant 0 : i32
        %dma_start3A_365 = arith.constant 0 : i32
        %dma_start3A_366 = tpu.memref_slice %dma_start3A_363[%dma_start3A_364, %dma_start3A_365] : memref<128x128xf32, #tpu.memory_space<vmem>> -> memref<128x128xf32, #tpu.memory_space<vmem>>
        %dma_start3A_367 = arith.constant 0 : i32
        %dma_start3A_368 = tpu.memref_slice %arg5[%add3A_357, %dma_start3A_367] : memref<50x128xi32, #tpu.memory_space<vmem>> -> memref<1x128xi32, #tpu.memory_space<vmem>>
        %dma_start3A_369 = tpu.memref_squeeze %dma_start3A_368 : memref<1x128xi32, #tpu.memory_space<vmem>> -> memref<128xi32, #tpu.memory_space<vmem>>
        %dma_start3A_370 = arith.constant 0 : i32
        %dma_start3A_371 = arith.constant 0 : i32
        %dma_start3A_372 = tpu.memref_slice %arg3[%dma_start3A_370, %dma_start3A_371] : memref<100000x128xf32, #tpu.memory_space<hbm>> -> memref<100000x128xf32, #tpu.memory_space<hbm>>
        %dma_start3A_373 = tpu.memref_slice %arg7[%dma_start3A_359] : memref<7x!tpu.dma_semaphore, #tpu.memory_space<semaphore_mem>> -> memref<1x!tpu.dma_semaphore, #tpu.memory_space<semaphore_mem>>
        %dma_start3A_374 = tpu.memref_squeeze %dma_start3A_373 : memref<1x!tpu.dma_semaphore, #tpu.memory_space<semaphore_mem>> -> memref<!tpu.dma_semaphore, #tpu.memory_space<semaphore_mem>>
        tpu.enqueue_indirect_dma source(%dma_start3A_372 : memref<100000x128xf32, #tpu.memory_space<hbm>>) target(%dma_start3A_366 : memref<128x128xf32, #tpu.memory_space<vmem>>) offsets(%dma_start3A_369 : memref<128xi32, #tpu.memory_space<vmem>>) semaphore(%dma_start3A_374 : memref<!tpu.dma_semaphore, #tpu.memory_space<semaphore_mem>>)
      } else {
      }
      %lt3A_349 = arith.constant 50 : i32
      %lt3A_350 = arith.cmpi slt, %add3A_333, %lt3A_349 : i32
      %convert_element_type3A_351 = arith.extui %lt3A_350 : i1 to i32
      %cond3A_352 = arith.constant 0 : i32
      %cond3A_353 = arith.cmpi ne, %convert_element_type3A_351, %cond3A_352 : i32
      scf.if %cond3A_353 {
        %dma_wait3A_354 = arith.constant 0 : i32
        %dma_wait3A_355 = arith.constant 6 : i32
        %dma_wait3A_356 = arith.constant 6 : i32
        %dma_wait3A_357 = arith.constant 0 : i32
        %dma_wait3A_358 = arith.constant 0 : i32
        %dma_wait3A_359 = tpu.memref_slice %arg6[%dma_wait3A_355, %dma_wait3A_357, %dma_wait3A_358] : memref<7x128x128xf32, #tpu.memory_space<vmem>> -> memref<1x128x128xf32, #tpu.memory_space<vmem>>
        %dma_wait3A_360 = tpu.memref_squeeze %dma_wait3A_359 : memref<1x128x128xf32, #tpu.memory_space<vmem>> -> memref<128x128xf32, #tpu.memory_space<vmem>>
        %dma_wait3A_361 = arith.constant 0 : i32
        %dma_wait3A_362 = arith.constant 0 : i32
        %dma_wait3A_363 = tpu.memref_slice %dma_wait3A_360[%dma_wait3A_361, %dma_wait3A_362] : memref<128x128xf32, #tpu.memory_space<vmem>> -> memref<128x128xf32, #tpu.memory_space<vmem>>
        %dma_wait3A_364 = arith.constant 0 : i32
        %dma_wait3A_365 = tpu.memref_slice %arg5[%dma_wait3A_354, %dma_wait3A_364] : memref<50x128xi32, #tpu.memory_space<vmem>> -> memref<1x128xi32, #tpu.memory_space<vmem>>
        %dma_wait3A_366 = tpu.memref_squeeze %dma_wait3A_365 : memref<1x128xi32, #tpu.memory_space<vmem>> -> memref<128xi32, #tpu.memory_space<vmem>>
        %dma_wait3A_367 = arith.constant 0 : i32
        %dma_wait3A_368 = arith.constant 0 : i32
        %dma_wait3A_369 = tpu.memref_slice %arg3[%dma_wait3A_367, %dma_wait3A_368] : memref<100000x128xf32, #tpu.memory_space<hbm>> -> memref<100000x128xf32, #tpu.memory_space<hbm>>
        %dma_wait3A_370 = tpu.memref_slice %arg7[%dma_wait3A_356] : memref<7x!tpu.dma_semaphore, #tpu.memory_space<semaphore_mem>> -> memref<1x!tpu.dma_semaphore, #tpu.memory_space<semaphore_mem>>
        %dma_wait3A_371 = tpu.memref_squeeze %dma_wait3A_370 : memref<1x!tpu.dma_semaphore, #tpu.memory_space<semaphore_mem>> -> memref<!tpu.dma_semaphore, #tpu.memory_space<semaphore_mem>>
        tpu.wait_indirect_dma semaphore(%dma_wait3A_371 : memref<!tpu.dma_semaphore, #tpu.memory_space<semaphore_mem>>) src(%dma_wait3A_369 : memref<100000x128xf32, #tpu.memory_space<hbm>>) dst(%dma_wait3A_363 : memref<128x128xf32, #tpu.memory_space<vmem>>)
        %mul3A_372 = arith.constant 128 : i32
        %mul3A_373 = arith.muli %add3A_333, %mul3A_372 : i32
        %add3A_374 = arith.addi %mul3A_2, %mul3A_373 : i32
        %dma_start3A_375 = arith.constant 6 : i32
        %dma_start3A_376 = arith.constant 6 : i32
        %dma_start3A_377 = arith.constant 0 : i32
        %dma_start3A_378 = arith.constant 0 : i32
        %dma_start3A_379 = tpu.memref_slice %arg6[%dma_start3A_375, %dma_start3A_377, %dma_start3A_378] : memref<7x128x128xf32, #tpu.memory_space<vmem>> -> memref<1x128x128xf32, #tpu.memory_space<vmem>>
        %dma_start3A_380 = tpu.memref_squeeze %dma_start3A_379 : memref<1x128x128xf32, #tpu.memory_space<vmem>> -> memref<128x128xf32, #tpu.memory_space<vmem>>
        %dma_start3A_381 = arith.constant 0 : i32
        %dma_start3A_382 = tpu.memref_slice %arg4[%add3A_374, %dma_start3A_381] : memref<204800x128xf32, #tpu.memory_space<hbm>> -> memref<128x128xf32, #tpu.memory_space<hbm>>
        %dma_start3A_383 = tpu.memref_slice %arg8[%dma_start3A_376] : memref<7x!tpu.dma_semaphore, #tpu.memory_space<semaphore_mem>> -> memref<1x!tpu.dma_semaphore, #tpu.memory_space<semaphore_mem>>
        %dma_start3A_384 = tpu.memref_squeeze %dma_start3A_383 : memref<1x!tpu.dma_semaphore, #tpu.memory_space<semaphore_mem>> -> memref<!tpu.dma_semaphore, #tpu.memory_space<semaphore_mem>>
        %dma_start3A_385 = arith.constant 0 : i32
        %dma_start3A_386 = tpu.memref_slice %arg4[%add3A_374, %dma_start3A_385] : memref<204800x128xf32, #tpu.memory_space<hbm>> -> memref<128x128xf32, #tpu.memory_space<hbm>>
        %dma_start3A_387 = arith.constant 0 : i32
        %dma_start3A_388 = arith.constant 0 : i32
        %dma_start3A_389 = tpu.memref_slice %arg6[%dma_start3A_375, %dma_start3A_387, %dma_start3A_388] : memref<7x128x128xf32, #tpu.memory_space<vmem>> -> memref<1x128x128xf32, #tpu.memory_space<vmem>>
        %dma_start3A_390 = tpu.memref_squeeze %dma_start3A_389 : memref<1x128x128xf32, #tpu.memory_space<vmem>> -> memref<128x128xf32, #tpu.memory_space<vmem>>
        tpu.enqueue_dma source(%dma_start3A_390 : memref<128x128xf32, #tpu.memory_space<vmem>>) target(%dma_start3A_386 : memref<128x128xf32, #tpu.memory_space<hbm>>) target_semaphore(%dma_start3A_384 : memref<!tpu.dma_semaphore, #tpu.memory_space<semaphore_mem>>)
      } else {
      }
    }
    %scan3A_78 = arith.constant 8 : i32
    %dma_wait3A = arith.constant 0 : i32
    %dma_wait3A_79 = arith.constant 0 : i32
    %dma_wait3A_80 = arith.constant 0 : i32
    %dma_wait3A_81 = arith.constant 0 : i32
    %dma_wait3A_82 = tpu.memref_slice %arg6[%dma_wait3A, %dma_wait3A_80, %dma_wait3A_81] : memref<7x128x128xf32, #tpu.memory_space<vmem>> -> memref<1x128x128xf32, #tpu.memory_space<vmem>>
    %dma_wait3A_83 = tpu.memref_squeeze %dma_wait3A_82 : memref<1x128x128xf32, #tpu.memory_space<vmem>> -> memref<128x128xf32, #tpu.memory_space<vmem>>
    %dma_wait3A_84 = arith.constant 0 : i32
    %dma_wait3A_85 = tpu.memref_slice %arg4[%mul3A_2, %dma_wait3A_84] : memref<204800x128xf32, #tpu.memory_space<hbm>> -> memref<128x128xf32, #tpu.memory_space<hbm>>
    %dma_wait3A_86 = tpu.memref_slice %arg8[%dma_wait3A_79] : memref<7x!tpu.dma_semaphore, #tpu.memory_space<semaphore_mem>> -> memref<1x!tpu.dma_semaphore, #tpu.memory_space<semaphore_mem>>
    %dma_wait3A_87 = tpu.memref_squeeze %dma_wait3A_86 : memref<1x!tpu.dma_semaphore, #tpu.memory_space<semaphore_mem>> -> memref<!tpu.dma_semaphore, #tpu.memory_space<semaphore_mem>>
    %dma_wait3A_88 = arith.constant 0 : i32
    %dma_wait3A_89 = tpu.memref_slice %arg4[%mul3A_2, %dma_wait3A_88] : memref<204800x128xf32, #tpu.memory_space<hbm>> -> memref<128x128xf32, #tpu.memory_space<hbm>>
    %dma_wait3A_90 = arith.constant 0 : i32
    %dma_wait3A_91 = arith.constant 0 : i32
    %dma_wait3A_92 = tpu.memref_slice %arg6[%dma_wait3A, %dma_wait3A_90, %dma_wait3A_91] : memref<7x128x128xf32, #tpu.memory_space<vmem>> -> memref<1x128x128xf32, #tpu.memory_space<vmem>>
    %dma_wait3A_93 = tpu.memref_squeeze %dma_wait3A_92 : memref<1x128x128xf32, #tpu.memory_space<vmem>> -> memref<128x128xf32, #tpu.memory_space<vmem>>
    tpu.wait_dma2 semaphore(%dma_wait3A_87 : memref<!tpu.dma_semaphore, #tpu.memory_space<semaphore_mem>>) src(%dma_wait3A_93 : memref<128x128xf32, #tpu.memory_space<vmem>>) dst(%dma_wait3A_89 : memref<128x128xf32, #tpu.memory_space<hbm>>)
    %dma_wait3A_94 = arith.constant 1 : i32
    %dma_wait3A_95 = arith.constant 1 : i32
    %dma_wait3A_96 = arith.constant 0 : i32
    %dma_wait3A_97 = arith.constant 0 : i32
    %dma_wait3A_98 = tpu.memref_slice %arg6[%dma_wait3A_94, %dma_wait3A_96, %dma_wait3A_97] : memref<7x128x128xf32, #tpu.memory_space<vmem>> -> memref<1x128x128xf32, #tpu.memory_space<vmem>>
    %dma_wait3A_99 = tpu.memref_squeeze %dma_wait3A_98 : memref<1x128x128xf32, #tpu.memory_space<vmem>> -> memref<128x128xf32, #tpu.memory_space<vmem>>
    %dma_wait3A_100 = arith.constant 0 : i32
    %dma_wait3A_101 = tpu.memref_slice %arg4[%mul3A_2, %dma_wait3A_100] : memref<204800x128xf32, #tpu.memory_space<hbm>> -> memref<128x128xf32, #tpu.memory_space<hbm>>
    %dma_wait3A_102 = tpu.memref_slice %arg8[%dma_wait3A_95] : memref<7x!tpu.dma_semaphore, #tpu.memory_space<semaphore_mem>> -> memref<1x!tpu.dma_semaphore, #tpu.memory_space<semaphore_mem>>
    %dma_wait3A_103 = tpu.memref_squeeze %dma_wait3A_102 : memref<1x!tpu.dma_semaphore, #tpu.memory_space<semaphore_mem>> -> memref<!tpu.dma_semaphore, #tpu.memory_space<semaphore_mem>>
    %dma_wait3A_104 = arith.constant 0 : i32
    %dma_wait3A_105 = tpu.memref_slice %arg4[%mul3A_2, %dma_wait3A_104] : memref<204800x128xf32, #tpu.memory_space<hbm>> -> memref<128x128xf32, #tpu.memory_space<hbm>>
    %dma_wait3A_106 = arith.constant 0 : i32
    %dma_wait3A_107 = arith.constant 0 : i32
    %dma_wait3A_108 = tpu.memref_slice %arg6[%dma_wait3A_94, %dma_wait3A_106, %dma_wait3A_107] : memref<7x128x128xf32, #tpu.memory_space<vmem>> -> memref<1x128x128xf32, #tpu.memory_space<vmem>>
    %dma_wait3A_109 = tpu.memref_squeeze %dma_wait3A_108 : memref<1x128x128xf32, #tpu.memory_space<vmem>> -> memref<128x128xf32, #tpu.memory_space<vmem>>
    tpu.wait_dma2 semaphore(%dma_wait3A_103 : memref<!tpu.dma_semaphore, #tpu.memory_space<semaphore_mem>>) src(%dma_wait3A_109 : memref<128x128xf32, #tpu.memory_space<vmem>>) dst(%dma_wait3A_105 : memref<128x128xf32, #tpu.memory_space<hbm>>)
    %dma_wait3A_110 = arith.constant 2 : i32
    %dma_wait3A_111 = arith.constant 2 : i32
    %dma_wait3A_112 = arith.constant 0 : i32
    %dma_wait3A_113 = arith.constant 0 : i32
    %dma_wait3A_114 = tpu.memref_slice %arg6[%dma_wait3A_110, %dma_wait3A_112, %dma_wait3A_113] : memref<7x128x128xf32, #tpu.memory_space<vmem>> -> memref<1x128x128xf32, #tpu.memory_space<vmem>>
    %dma_wait3A_115 = tpu.memref_squeeze %dma_wait3A_114 : memref<1x128x128xf32, #tpu.memory_space<vmem>> -> memref<128x128xf32, #tpu.memory_space<vmem>>
    %dma_wait3A_116 = arith.constant 0 : i32
    %dma_wait3A_117 = tpu.memref_slice %arg4[%mul3A_2, %dma_wait3A_116] : memref<204800x128xf32, #tpu.memory_space<hbm>> -> memref<128x128xf32, #tpu.memory_space<hbm>>
    %dma_wait3A_118 = tpu.memref_slice %arg8[%dma_wait3A_111] : memref<7x!tpu.dma_semaphore, #tpu.memory_space<semaphore_mem>> -> memref<1x!tpu.dma_semaphore, #tpu.memory_space<semaphore_mem>>
    %dma_wait3A_119 = tpu.memref_squeeze %dma_wait3A_118 : memref<1x!tpu.dma_semaphore, #tpu.memory_space<semaphore_mem>> -> memref<!tpu.dma_semaphore, #tpu.memory_space<semaphore_mem>>
    %dma_wait3A_120 = arith.constant 0 : i32
    %dma_wait3A_121 = tpu.memref_slice %arg4[%mul3A_2, %dma_wait3A_120] : memref<204800x128xf32, #tpu.memory_space<hbm>> -> memref<128x128xf32, #tpu.memory_space<hbm>>
    %dma_wait3A_122 = arith.constant 0 : i32
    %dma_wait3A_123 = arith.constant 0 : i32
    %dma_wait3A_124 = tpu.memref_slice %arg6[%dma_wait3A_110, %dma_wait3A_122, %dma_wait3A_123] : memref<7x128x128xf32, #tpu.memory_space<vmem>> -> memref<1x128x128xf32, #tpu.memory_space<vmem>>
    %dma_wait3A_125 = tpu.memref_squeeze %dma_wait3A_124 : memref<1x128x128xf32, #tpu.memory_space<vmem>> -> memref<128x128xf32, #tpu.memory_space<vmem>>
    tpu.wait_dma2 semaphore(%dma_wait3A_119 : memref<!tpu.dma_semaphore, #tpu.memory_space<semaphore_mem>>) src(%dma_wait3A_125 : memref<128x128xf32, #tpu.memory_space<vmem>>) dst(%dma_wait3A_121 : memref<128x128xf32, #tpu.memory_space<hbm>>)
    %dma_wait3A_126 = arith.constant 3 : i32
    %dma_wait3A_127 = arith.constant 3 : i32
    %dma_wait3A_128 = arith.constant 0 : i32
    %dma_wait3A_129 = arith.constant 0 : i32
    %dma_wait3A_130 = tpu.memref_slice %arg6[%dma_wait3A_126, %dma_wait3A_128, %dma_wait3A_129] : memref<7x128x128xf32, #tpu.memory_space<vmem>> -> memref<1x128x128xf32, #tpu.memory_space<vmem>>
    %dma_wait3A_131 = tpu.memref_squeeze %dma_wait3A_130 : memref<1x128x128xf32, #tpu.memory_space<vmem>> -> memref<128x128xf32, #tpu.memory_space<vmem>>
    %dma_wait3A_132 = arith.constant 0 : i32
    %dma_wait3A_133 = tpu.memref_slice %arg4[%mul3A_2, %dma_wait3A_132] : memref<204800x128xf32, #tpu.memory_space<hbm>> -> memref<128x128xf32, #tpu.memory_space<hbm>>
    %dma_wait3A_134 = tpu.memref_slice %arg8[%dma_wait3A_127] : memref<7x!tpu.dma_semaphore, #tpu.memory_space<semaphore_mem>> -> memref<1x!tpu.dma_semaphore, #tpu.memory_space<semaphore_mem>>
    %dma_wait3A_135 = tpu.memref_squeeze %dma_wait3A_134 : memref<1x!tpu.dma_semaphore, #tpu.memory_space<semaphore_mem>> -> memref<!tpu.dma_semaphore, #tpu.memory_space<semaphore_mem>>
    %dma_wait3A_136 = arith.constant 0 : i32
    %dma_wait3A_137 = tpu.memref_slice %arg4[%mul3A_2, %dma_wait3A_136] : memref<204800x128xf32, #tpu.memory_space<hbm>> -> memref<128x128xf32, #tpu.memory_space<hbm>>
    %dma_wait3A_138 = arith.constant 0 : i32
    %dma_wait3A_139 = arith.constant 0 : i32
    %dma_wait3A_140 = tpu.memref_slice %arg6[%dma_wait3A_126, %dma_wait3A_138, %dma_wait3A_139] : memref<7x128x128xf32, #tpu.memory_space<vmem>> -> memref<1x128x128xf32, #tpu.memory_space<vmem>>
    %dma_wait3A_141 = tpu.memref_squeeze %dma_wait3A_140 : memref<1x128x128xf32, #tpu.memory_space<vmem>> -> memref<128x128xf32, #tpu.memory_space<vmem>>
    tpu.wait_dma2 semaphore(%dma_wait3A_135 : memref<!tpu.dma_semaphore, #tpu.memory_space<semaphore_mem>>) src(%dma_wait3A_141 : memref<128x128xf32, #tpu.memory_space<vmem>>) dst(%dma_wait3A_137 : memref<128x128xf32, #tpu.memory_space<hbm>>)
    %dma_wait3A_142 = arith.constant 4 : i32
    %dma_wait3A_143 = arith.constant 4 : i32
    %dma_wait3A_144 = arith.constant 0 : i32
    %dma_wait3A_145 = arith.constant 0 : i32
    %dma_wait3A_146 = tpu.memref_slice %arg6[%dma_wait3A_142, %dma_wait3A_144, %dma_wait3A_145] : memref<7x128x128xf32, #tpu.memory_space<vmem>> -> memref<1x128x128xf32, #tpu.memory_space<vmem>>
    %dma_wait3A_147 = tpu.memref_squeeze %dma_wait3A_146 : memref<1x128x128xf32, #tpu.memory_space<vmem>> -> memref<128x128xf32, #tpu.memory_space<vmem>>
    %dma_wait3A_148 = arith.constant 0 : i32
    %dma_wait3A_149 = tpu.memref_slice %arg4[%mul3A_2, %dma_wait3A_148] : memref<204800x128xf32, #tpu.memory_space<hbm>> -> memref<128x128xf32, #tpu.memory_space<hbm>>
    %dma_wait3A_150 = tpu.memref_slice %arg8[%dma_wait3A_143] : memref<7x!tpu.dma_semaphore, #tpu.memory_space<semaphore_mem>> -> memref<1x!tpu.dma_semaphore, #tpu.memory_space<semaphore_mem>>
    %dma_wait3A_151 = tpu.memref_squeeze %dma_wait3A_150 : memref<1x!tpu.dma_semaphore, #tpu.memory_space<semaphore_mem>> -> memref<!tpu.dma_semaphore, #tpu.memory_space<semaphore_mem>>
    %dma_wait3A_152 = arith.constant 0 : i32
    %dma_wait3A_153 = tpu.memref_slice %arg4[%mul3A_2, %dma_wait3A_152] : memref<204800x128xf32, #tpu.memory_space<hbm>> -> memref<128x128xf32, #tpu.memory_space<hbm>>
    %dma_wait3A_154 = arith.constant 0 : i32
    %dma_wait3A_155 = arith.constant 0 : i32
    %dma_wait3A_156 = tpu.memref_slice %arg6[%dma_wait3A_142, %dma_wait3A_154, %dma_wait3A_155] : memref<7x128x128xf32, #tpu.memory_space<vmem>> -> memref<1x128x128xf32, #tpu.memory_space<vmem>>
    %dma_wait3A_157 = tpu.memref_squeeze %dma_wait3A_156 : memref<1x128x128xf32, #tpu.memory_space<vmem>> -> memref<128x128xf32, #tpu.memory_space<vmem>>
    tpu.wait_dma2 semaphore(%dma_wait3A_151 : memref<!tpu.dma_semaphore, #tpu.memory_space<semaphore_mem>>) src(%dma_wait3A_157 : memref<128x128xf32, #tpu.memory_space<vmem>>) dst(%dma_wait3A_153 : memref<128x128xf32, #tpu.memory_space<hbm>>)
    %dma_wait3A_158 = arith.constant 5 : i32
    %dma_wait3A_159 = arith.constant 5 : i32
    %dma_wait3A_160 = arith.constant 0 : i32
    %dma_wait3A_161 = arith.constant 0 : i32
    %dma_wait3A_162 = tpu.memref_slice %arg6[%dma_wait3A_158, %dma_wait3A_160, %dma_wait3A_161] : memref<7x128x128xf32, #tpu.memory_space<vmem>> -> memref<1x128x128xf32, #tpu.memory_space<vmem>>
    %dma_wait3A_163 = tpu.memref_squeeze %dma_wait3A_162 : memref<1x128x128xf32, #tpu.memory_space<vmem>> -> memref<128x128xf32, #tpu.memory_space<vmem>>
    %dma_wait3A_164 = arith.constant 0 : i32
    %dma_wait3A_165 = tpu.memref_slice %arg4[%mul3A_2, %dma_wait3A_164] : memref<204800x128xf32, #tpu.memory_space<hbm>> -> memref<128x128xf32, #tpu.memory_space<hbm>>
    %dma_wait3A_166 = tpu.memref_slice %arg8[%dma_wait3A_159] : memref<7x!tpu.dma_semaphore, #tpu.memory_space<semaphore_mem>> -> memref<1x!tpu.dma_semaphore, #tpu.memory_space<semaphore_mem>>
    %dma_wait3A_167 = tpu.memref_squeeze %dma_wait3A_166 : memref<1x!tpu.dma_semaphore, #tpu.memory_space<semaphore_mem>> -> memref<!tpu.dma_semaphore, #tpu.memory_space<semaphore_mem>>
    %dma_wait3A_168 = arith.constant 0 : i32
    %dma_wait3A_169 = tpu.memref_slice %arg4[%mul3A_2, %dma_wait3A_168] : memref<204800x128xf32, #tpu.memory_space<hbm>> -> memref<128x128xf32, #tpu.memory_space<hbm>>
    %dma_wait3A_170 = arith.constant 0 : i32
    %dma_wait3A_171 = arith.constant 0 : i32
    %dma_wait3A_172 = tpu.memref_slice %arg6[%dma_wait3A_158, %dma_wait3A_170, %dma_wait3A_171] : memref<7x128x128xf32, #tpu.memory_space<vmem>> -> memref<1x128x128xf32, #tpu.memory_space<vmem>>
    %dma_wait3A_173 = tpu.memref_squeeze %dma_wait3A_172 : memref<1x128x128xf32, #tpu.memory_space<vmem>> -> memref<128x128xf32, #tpu.memory_space<vmem>>
    tpu.wait_dma2 semaphore(%dma_wait3A_167 : memref<!tpu.dma_semaphore, #tpu.memory_space<semaphore_mem>>) src(%dma_wait3A_173 : memref<128x128xf32, #tpu.memory_space<vmem>>) dst(%dma_wait3A_169 : memref<128x128xf32, #tpu.memory_space<hbm>>)
    %dma_wait3A_174 = arith.constant 6 : i32
    %dma_wait3A_175 = arith.constant 6 : i32
    %dma_wait3A_176 = arith.constant 0 : i32
    %dma_wait3A_177 = arith.constant 0 : i32
    %dma_wait3A_178 = tpu.memref_slice %arg6[%dma_wait3A_174, %dma_wait3A_176, %dma_wait3A_177] : memref<7x128x128xf32, #tpu.memory_space<vmem>> -> memref<1x128x128xf32, #tpu.memory_space<vmem>>
    %dma_wait3A_179 = tpu.memref_squeeze %dma_wait3A_178 : memref<1x128x128xf32, #tpu.memory_space<vmem>> -> memref<128x128xf32, #tpu.memory_space<vmem>>
    %dma_wait3A_180 = arith.constant 0 : i32
    %dma_wait3A_181 = tpu.memref_slice %arg4[%mul3A_2, %dma_wait3A_180] : memref<204800x128xf32, #tpu.memory_space<hbm>> -> memref<128x128xf32, #tpu.memory_space<hbm>>
    %dma_wait3A_182 = tpu.memref_slice %arg8[%dma_wait3A_175] : memref<7x!tpu.dma_semaphore, #tpu.memory_space<semaphore_mem>> -> memref<1x!tpu.dma_semaphore, #tpu.memory_space<semaphore_mem>>
    %dma_wait3A_183 = tpu.memref_squeeze %dma_wait3A_182 : memref<1x!tpu.dma_semaphore, #tpu.memory_space<semaphore_mem>> -> memref<!tpu.dma_semaphore, #tpu.memory_space<semaphore_mem>>
    %dma_wait3A_184 = arith.constant 0 : i32
    %dma_wait3A_185 = tpu.memref_slice %arg4[%mul3A_2, %dma_wait3A_184] : memref<204800x128xf32, #tpu.memory_space<hbm>> -> memref<128x128xf32, #tpu.memory_space<hbm>>
    %dma_wait3A_186 = arith.constant 0 : i32
    %dma_wait3A_187 = arith.constant 0 : i32
    %dma_wait3A_188 = tpu.memref_slice %arg6[%dma_wait3A_174, %dma_wait3A_186, %dma_wait3A_187] : memref<7x128x128xf32, #tpu.memory_space<vmem>> -> memref<1x128x128xf32, #tpu.memory_space<vmem>>
    %dma_wait3A_189 = tpu.memref_squeeze %dma_wait3A_188 : memref<1x128x128xf32, #tpu.memory_space<vmem>> -> memref<128x128xf32, #tpu.memory_space<vmem>>
    tpu.wait_dma2 semaphore(%dma_wait3A_183 : memref<!tpu.dma_semaphore, #tpu.memory_space<semaphore_mem>>) src(%dma_wait3A_189 : memref<128x128xf32, #tpu.memory_space<vmem>>) dst(%dma_wait3A_185 : memref<128x128xf32, #tpu.memory_space<hbm>>)
    return
  }
}

</mosaic_0001>

<sc_bundles>
// kernel: kernel.3.cloned.1.call-start
scs
__scs_entry_jumppad:
0x0: {  	(pc) =	sbr.rel $0x88, $3  }
0x1: {  	(tag) =	ssettag $0x0;
	lr =	simm.s32 $0x1  }
0x2: {  	[smem:$0x3F9F] =	sst lr;
	_ =	strace $0xD0000000  }
0x3: {  	_ = 	snop  }
0x4: {  	_ = 	snop  }
0x5: {  	_ = 	snop  }
0x6: {  	_ = 	snop  }
0x7: {  	_ = 	snop  }
__scs_overlays_trampoline_lowered:
0x8: {  	[smem:$0x3FAE] =	sst s0  }
0x9: {  	[smem:$0x3FAF] =	sst s1  }
0xa: {  	[smem:$0x3FB0] =	sst s2  }
0xb: {  	[smem:$0x3FB1] =	sst s3  }
0xc: {  	[smem:$0x3FB2] =	sst s4  }
0xd: {  	[smem:$0x3FB3] =	sst s5  }
0xe: {  	[smem:$0x3FB4] =	sst s6  }
0xf: {  	[smem:$0x3FB5] =	sst s7  }
0x10: {  	[smem:$0x3FB6] =	sst s8  }
0x11: {  	[smem:$0x3FB7] =	sst s9;
	s0 =	simm.s32 @!p0 $0x0  }
0x12: {  	s1 =	sld [smem:$0x3F9D];
	s0 =	simm.s32 @p0 $0x1  }
0x13: {  	[smem:$0x3FB8] =	sst s0;
	s0 =	simm.s32 @!p1 $0x0  }
0x14: {  	s2 =	sld [smem:$0x3F9C];
	s0 =	simm.s32 @p1 $0x1  }
0x15: {  	[smem:$0x3FB9] =	sst s0;
	s0 =	simm.s32 @!p2 $0x0  }
0x16: {  	s3 =	sld [smem:$0x3FDB];
	s0 =	simm.s32 @p2 $0x1  }
0x17: {  	s4 =	simm.s32 $0x1BF5;
	[smem:$0x3FBB] =	sst s0  }
0x18: {  	s0 =	sld [smem:$0x3F9E];
	_ =	swait.ge [sflag:s4], $0x0  }
0x19: {  	s7 =	sld [smem:$0x3F9F]  }
0x1a: {  	s8 =	sadd.s32 $0xFFFFE003, lr  }
0x1b: {  	s9 =	sadd.s32 $0xFFFFFEF7, lr;
	s5 =	simm.s32 $0xFFFFFFFF;
	p2 =	slt.u32 s8, $0xFFFFF086  }
0x1c: {  	p1 =	slt.u32 s9, $0xF7A;
	s5 =	simm.s32 @!p2 $0x0  }
0x1d: {  	s5 =	simm.s32 @p1 $0x1;
	p0 =	seq.s32 s7, s2  }
0x1e: {  	s7 =	smul.u32 @!p0 $0xF7A, s2;
	p2 =	seq.s32 @!p0 s5, $0x0  }
0x1f: {  	s9 =	smul.u32 $0xF7A, s1;
	s8 =	simm.s32 @!p0 $0x1BF5;
	p2 =	por !p2, p0  }
0x20: {  	[sflag:s8] =	ssyncset.s32 @!p0 $0xFFFFF086;
	s6 =	sadd.s32 @!p0 s3, s7;
	s7 =	simm.s32 @!p0 $0x108  }
0x21: {  	s3 =	sadd.s32 s3, s9;
	s6 =	sadd.s32 @!p0 $0x88, s6;
	s7 =	simm.s32 @p2 $0x1082  }
0x22: {  	[simem:s7], [sflag:s8] =	dma.local @!p0 [hbm:s6], $0xF7A  }
0x23: {  	s9 =	sor.u32 $0xD0000000, s2;
	s6 =	simm.s32 $0x108;
	_ =	swait.ge @!p0 [sflag:s8], $0x0  }
0x24: {  	s3 =	sadd.s32 $0x88, s3;
	s6 =	simm.s32 @!p1 $0x1082;
	[sflag:s4] =	ssyncset.s32 $0xFFFFF086  }
0x25: {  	[simem:s6], [sflag:s4] =	dma.local [hbm:s3], $0xF7A  }
0x26: {  	[smem:$0x3F9F] =	sst s1;
	(tag) =	ssettag s2;
	_ =	strace s9  }
0x27: {  	s1 =	sld [smem:$0x3FAF]  }
0x28: {  	s2 =	sld [smem:$0x3FB0]  }
0x29: {  	s4 =	sld [smem:$0x3FB2]  }
0x2a: {  	p0 =	seq.s32 s5, $0x0;
	s5 =	sld [smem:$0x3FB3]  }
0x2b: {  	s6 =	sld [smem:$0x3FB4]  }
0x2c: {  	s7 =	sld [smem:$0x3FB5]  }
0x2d: {  	s3 =	simm.s32 $0x108;
	s8 =	sld [smem:$0x3FB6]  }
0x2e: {  	s3 =	simm.s32 @!p0 $0x1082;
	s9 =	sld [smem:$0x3FB7]  }
0x2f: {  	lr =	sadd.s32 s0, s3;
	s0 =	sld [smem:$0x3FAE]  }
0x30: {  	s3 =	sld [smem:$0x3FB1]  }
0x31: {  	[smem:$0x3FBA] =	sst s10  }
0x32: {  	s10 =	sld [smem:$0x3FB8];
	_ =	sdelay $0x3  }
0x33: {  	p0 =	seq.s32 s10, $0x1;
	s10 =	sld [smem:$0x3FBA];
	_ =	sdelay $0x3  }
0x34: {  	[smem:$0x3FBA] =	sst s10  }
0x35: {  	s10 =	sld [smem:$0x3FB9];
	_ =	sdelay $0x3  }
0x36: {  	p1 =	seq.s32 s10, $0x1;
	s10 =	sld [smem:$0x3FBA];
	_ =	sdelay $0x3  }
0x37: {  	[smem:$0x3FBA] =	sst s10  }
0x38: {  	s10 =	sld [smem:$0x3FBB]  }
0x39: {  	_ = 	snop;
	(pc) =	sbr.ind lr, $3  }
0x3a: {  	_ = 	snop  }
0x3b: {  	_ = 	snop  }
0x3c: {  	p2 =	seq.s32 s10, $0x1;
	s10 =	sld [smem:$0x3FBA]  }
0x3d: {  	_ =	shalt  }
0x3e: {  	_ =	shalt  }
0x3f: {  	_ =	shalt  }
0x40: {  	_ =	shalt  }
0x41: {  	_ =	shalt  }
0x42: {  	_ =	shalt  }
0x43: {  	_ =	shalt  }
0x44: {  	_ =	shalt  }
0x45: {  	_ =	shalt  }
0x46: {  	_ =	shalt  }
0x47: {  	_ =	shalt  }
0x48: {  	_ =	shalt  }
0x49: {  	_ =	shalt  }
0x4a: {  	_ =	shalt  }
0x4b: {  	_ =	shalt  }
0x4c: {  	_ =	shalt  }
0x4d: {  	_ =	shalt  }
0x4e: {  	_ =	shalt  }
0x4f: {  	_ =	shalt  }
0x50: {  	_ =	shalt  }
0x51: {  	_ =	shalt  }
0x52: {  	_ =	shalt  }
0x53: {  	_ =	shalt  }
0x54: {  	_ =	shalt  }
0x55: {  	_ =	shalt  }
0x56: {  	_ =	shalt  }
0x57: {  	_ =	shalt  }
0x58: {  	_ =	shalt  }
0x59: {  	_ =	shalt  }
0x5a: {  	_ =	shalt  }
0x5b: {  	_ =	shalt  }
0x5c: {  	_ =	shalt  }
0x5d: {  	_ =	shalt  }
0x5e: {  	_ =	shalt  }
0x5f: {  	_ =	shalt  }
0x60: {  	_ =	shalt  }
0x61: {  	_ =	shalt  }
0x62: {  	_ =	shalt  }
0x63: {  	_ =	shalt  }
0x64: {  	_ =	shalt  }
0x65: {  	_ =	shalt  }
0x66: {  	_ =	shalt  }
0x67: {  	_ =	shalt  }
0x68: {  	_ =	shalt  }
0x69: {  	_ =	shalt  }
0x6a: {  	_ =	shalt  }
0x6b: {  	_ =	shalt  }
0x6c: {  	_ =	shalt  }
0x6d: {  	_ =	shalt  }
0x6e: {  	_ =	shalt  }
0x6f: {  	_ =	shalt  }
0x70: {  	_ =	shalt  }
0x71: {  	_ =	shalt  }
0x72: {  	_ =	shalt  }
0x73: {  	_ =	shalt  }
0x74: {  	_ =	shalt  }
0x75: {  	_ =	shalt  }
0x76: {  	_ =	shalt  }
0x77: {  	_ =	shalt  }
0x78: {  	_ =	shalt  }
0x79: {  	_ =	shalt  }
0x7a: {  	_ =	shalt  }
0x7b: {  	_ =	shalt  }
0x7c: {  	_ =	shalt  }
0x7d: {  	_ =	shalt  }
0x7e: {  	_ =	shalt  }
0x7f: {  	_ =	shalt  }
0x80: {  	_ =	shalt  }
0x81: {  	_ =	shalt  }
0x82: {  	_ =	shalt  }
0x83: {  	_ =	shalt  }
0x84: {  	_ =	shalt  }
0x85: {  	_ =	shalt  }
0x86: {  	_ =	shalt  }
0x87: {  	_ =	shalt  }
.Lfunc_end0:
.L_simem_size_0:
called_computation_lowered:
.L_overlay_start_0:
0x88: {  	s2 =	sld [smem:$0x3FD9]  }
0x89: {  	s3 =	sld [smem:$0x3FFE];
	_ =	sdelay $0x1  }
0x8a: {  	s1 =	srdreg.scid  }
0x8b: {  	s0 =	sand.u32 $0x1, s1  }
0x8c: {  	s17 =	sshll.u32 s0, $0xA;
	s2 =	sadd.s32 s3, s2  }
0x8d: {  	s2 =	sadd.s32 s2, s17  }
0x8e: {  	[smem:$0x3FC6] =	sst s2  }
0x8f: {  	_ = 	snop  }
0x90: {  	s2 =	sld [smem:$0x3FC8]  }
0x91: {  	s18 =	sld [smem:$0x3FD0];
	(tm) =	ssettm $0x1  }
0x92: {  	s4 =	sld [smem:$0x3FFB];
	_ =	sdelay $0x3  }
0x93: {  	_ =	strace s4  }
0x94: {  	s4 =	sld [smem:$0x3FFC];
	_ =	sdelay $0x3  }
0x95: {  	_ =	strace s4  }
0x96: {  	s4 =	sld [smem:$0x3FFD];
	_ =	sdelay $0x3  }
0x97: {  	_ =	strace s4  }
0x98: {  	_ =	strace $0x8FFFFFFF  }
0x99: {  	s19 =	sld [smem:$0x3FDB];
	_ =	sdelay $0x1  }
0x9a: {  	s5 =	simm.s32 $_scs_section_size  }
0x9b: {  	s6 =	simm.s32 $_size__tile_overlayer_lowered;
	s7 =	simm.s32 $_tile_overlayer_lowered  }
0x9c: {  	s22 =	simm.s32 $0x1BFF;
	s21 =	sshll.u32 s7, $0x1;
	s4 =	sadd.s32 s5, s19  }
0x9d: {  	s8 =	simm.s32 $0x0;
	s20 =	sshll.u32 s6, $0x1;
	s6 =	sadd.s32 s21, s4  }
0x9e: {  	[timem:s8], [sflag:s22] =	dma.local [hbm:s6], s20  }
0x9f: {  	_ =	swait.ge [sflag:s22], s20  }
0xa0: {  	s5 =	ssub.s32 $0x0, s20;
	[sflag:s22] =	ssyncset.done $0x0  }
0xa1: {  	[sflag:s22] =	ssyncadd.s32 s5;
	_ =	sdelay $0x1  }
0xa2: {  	s23 =	simm.s32 $0x1B8B  }
0xa3: {  	_ =	swait.ge [sflag:s23], $0x1  }
0xa4: {  	[sflag:s23] =	ssyncset.done $0x0  }
0xa5: {  	s25 =	simm.s32 $0x1B8E;
	s24 =	sld [smem:$0x3FFE];
	[sflag:s23] =	ssyncadd.s32 $0xFFFFFFFF  }
0xa6: {  	s26 =	simm.s32 $execute0_lowered;
	[smem:$0x3FD2] =	sst s25  }
0xa7: {  	s6 =	sshll.u32 s26, $0x1;
	_ =	strace $0x80000046;
	[dreg:$0x1] =	wrdreg $0xFFFFFFFF  }
0xa8: {  	s28 =	simm.s32 $_size_execute0_lowered;
	s4 =	sadd.s32 s4, s6;
	[dreg:$0x0] =	wrdreg $0x0  }
0xa9: {  	s6 =	sshll.u32 s28, $0x1;
	[dreg:$0x2] =	wrdreg s4  }
0xaa: {  	[dreg:$0x3] =	wrdreg s6  }
0xab: {  	[dreg:$0x4] =	wrdreg $0xC0  }
0xac: {  	_ =	task [dreg:s8], $0x5FFFF  }
0xad: {  	[dreg:$0x1] =	wrdreg $0xFFFFFFFF  }
0xae: {  	[dreg:$0x0] =	wrdreg $0x60  }
0xaf: {  	[dreg:$0x2] =	wrdreg s24  }
0xb0: {  	[dreg:$0x3] =	wrdreg s2  }
0xb1: {  	[dreg:$0x4] =	wrdreg s18  }
0xb2: {  	[dreg:$0x5] =	wrdreg $0x9  }
0xb3: {  	_ =	task.clear_ibuf [dreg:s8], $0x6FFFF;
	_ =	strace $0x90000046  }
0xb4: {  	s29 =	simm.s32 $0x9;
	_ =	strace $0x80000048  }
0xb5: {  	_ =	swait.ge [sflag:s29], $0x1  }
0xb6: {  	[sflag:s29] =	ssyncadd.s32 $0xFFFFFFFF  }
0xb7: {  	_ =	strace $0x90000048  }
0xb8: {  	_ =	sfence  }
0xb9: {  	s30 =	sld [smem:$0x0];
	_ =	sdelay $0x2  }
0xba: {  	s31 =	sshll.u32 s1, $0xD;
	s1 =	sshrl.u32 s1, $0x2  }
0xbb: {  	s3 =	sand.u32 $0x4000, s31;
	s1 =	sadd.s32 s1, s30  }
0xbc: {  	s0 =	sor.u32 s3, s0;
	s1 =	sshll.u32 s1, $0x11  }
0xbd: {  	s0 =	sor.u32 s1, s0  }
0xbe: {  	s0 =	sadd.s32 $0x8F2B, s0  }
0xbf: {  	[sflag:s0] =	ssyncadd.remote.s32 $0x1  }
0xc0: {  	_ =	sfence.sel $0xFFFF  }
0xc1: {  	[dreg:$0x0] =	wrdreg $0xFFFFFFFF;
	(pc) =	sbr.abs _section_cstart, $3  }
0xc2: {  	[dreg:$0x1] =	wrdreg $0xFFFFFFFF  }
0xc3: {  	_ =	task.clear_ibuf [dreg:s8], $0x2FFFF;
	_ =	strace $0x9FFFFFFF  }
0xc4: {  	(tm) =	ssettm $0x7FFFFFFF  }
0xc5: {  	_ =	shalt  }
tec
execute0_lowered:
.L_overlay_start_1:
0x0: {  	(tag) =	ssettag $0x1  }
0x1: {  	s0 =	rddreg [dreg:$0x0]  }
0x2: {  	s2 =	rddreg [dreg:$0x1]  }
0x3: {  	s1 =	rddreg [dreg:$0x2]  }
0x4: {  	s3 =	srdreg.scid;
	s9 =	stileid.u32  }
0x5: {  	s14 =	simm.s32 $0x80;
	s15 =	simm.s32 $0x1C00;
	s28 =	simm.s32 $0xD  }
0x6: {  	s29 =	simm.s32 $0xE;
	s7 =	sand.u32 $0x1, s3;
	s4 =	smul.u32 $0x190000, s9  }
0x7: {  	s3 =	simm.s32 $0x0;
	s5 =	sshll.u32 s9, $0x1;
	s9 =	smul.u32 $0x32000, s9  }
0x8: {  	s30 =	simm.s32 $0x0;
	s6 =	smul.u32 $0xC8000, s7;
	[smem:$0x7FF] =	sst s3  }
0x9: {  	s5 =	sor.u32 s7, s5;
	s8 =	ssub.s32 $0x2, s7;
	s11 =	smul.u32 $0x19000, s7  }
0xa: {  	s5 =	smul.u32 $0x380, s5;
	_ =	strace $0x80000047;
	s19 =	sshrl.u32 s8, $0x1  }
0xb: {  	s24 =	sadd.s32 s9, s1;
	s10 =	sadd.s32 s6, s4;
	s20 =	ssub.s32 s8, s19  }
0xc: {  	s9 =	sadd.s32 s11, s24;
	s24 =	simm.s32 $0xA;
	s6 =	sadd.s32 $0x8000, s10  }
0xd: {  	s0 =	sadd.s32 s5, s0;
	s21 =	smax.u32 s20, $0x1;
	s22 =	sadd.s32 $0xC000, s10  }
0xe: {  	s23 =	sor.u32 $0x4000, s10;
	s25 =	sadd.s32 $0x18000, s10;
	s26 =	sadd.s32 $0x14000, s10  }
0xf: {  	s12 =	sadd.s32 $0x10000, s10;
	s6 =	sshrl.u32 s6, $0x3;
	s0 =	sadd.s32 $0x400, s0  }
0x10: {  	[dreg:$0x5] =	wrdreg s21;
	s8 =	sshrl.u32 s23, $0x3;
	s11 =	sshrl.u32 s26, $0x3  }
0x11: {  	s31 =	sshrl.u32 s12, $0x3;
	s21 =	simm.s32 $0x1;
	s23 =	simm.s32 $0x9  }
0x12: {  	s26 =	simm.s32 $0xC;
	[dreg:$0x4] =	wrdreg s0;
	s6 =	sadd.s32 s6, s1  }
0x13: {  	s0 =	sshrl.u32 s22, $0x3;
	s8 =	sadd.s32 s8, s1;
	s11 =	sadd.s32 s11, s1  }
0x14: {  	s12 =	sadd.s32 s31, s1;
	s7 =	sadd.s32 s0, s1;
	s0 =	sshrl.u32 s25, $0x3  }
0x15: {  	s22 =	simm.s32 $0x8;
	s25 =	simm.s32 $0xB;
	s10 =	sadd.s32 s0, s1  }
.LBB2_1:
0x16: {  	s0 =	rddreg [dreg:$0x4];
	s16 =	simm.s32 $0xF  }
0x17: {  	[tilespmem:s3], [sflag:$0xF] =	stream.linear.gather [hbm4b:s0+s3], $0x1900, $0x38;
	[tilespmem:$0x1DC00] =	vst v63  }
0x18: {  	_ =	swait.ge [sflag:s16], $0x1900  }
0x19: {  	[sflag:s16] =	ssyncset.done $0x0  }
0x1a: {  	[sflag:s16] =	ssyncadd.s32 $0xFFFFE700  }
0x1b: {  	[tilespmem:s15], [sflag:$0x1] =	stream.indirect.gather [hbm4b:s2+s14], $0x80, s3, s14, $0xb8;
	[tilespmem:$0x1DC00] =	vst v63  }
0x1c: {  	s17 =	simm.s32 $0x5C00;
	s18 =	simm.s32 $0x100;
	s1 =	simm.s32 $0x9C00  }
0x1d: {  	[tilespmem:s17], [sflag:$0x2] =	stream.indirect.gather [hbm4b:s2+s14], $0x80, s14, s14, $0xb8;
	[tilespmem:$0x1DC00] =	vst v63  }
0x1e: {  	s19 =	simm.s32 $0x180;
	s20 =	simm.s32 $0xDC00;
	s31 =	simm.s32 $0x500  }
0x1f: {  	[tilespmem:s1], [sflag:$0x3] =	stream.indirect.gather [hbm4b:s2+s14], $0x80, s18, s14, $0xb8;
	[tilespmem:$0x1DC00] =	vst v63  }
0x20: {  	s0 =	simm.s32 $0xFFFFFFFD;
	s16 =	simm.s32 $0x0;
	s1 =	simm.s32 $0x0  }
0x21: {  	[tilespmem:s20], [sflag:$0x4] =	stream.indirect.gather [hbm4b:s2+s14], $0x80, s19, s14, $0xb8;
	[tilespmem:$0x1DC00] =	vst v63  }
.LBB2_2:
0x22: {  	p0 =	sgt.u32 s0, $0x2A  }
0x23: {  	s17 =	simm.s32 @!p0 $0xC  }
0x24: {  	_ =	swait.ge @!p0 [sflag:s17], $0x4000  }
0x25: {  	[sflag:s17] =	ssyncset.done @!p0 $0x0  }
0x26: {  	[sflag:s17] =	ssyncadd.s32 @!p0 $0xFFFFC000;
	p0 =	seq.s32 s1, $0x18800  }
0x27: {  	s17 =	sadd.s32 @!p0 $0xFFFFFD00, s31;
	s4 =	simm.s32 @!p0 $0x80;
	s18 =	simm.s32 @!p0 $0x11C00  }
0x28: {  	[tilespmem:s18], [sflag:$0x5] =	stream.indirect.gather @!p0 [hbm4b:s2+s4], $0x80, s17, s4, $0xb8;
	[tilespmem:$0x1DC00] =	vst v63  }
0x29: {  	s20 =	sadd.s32 $0x1, s0;
	_ =	swait.ge [sflag:s21], $0x4000  }
0x2a: {  	p1 =	sgt.u32 s20, $0x2A;
	[sflag:s21] =	ssyncset.done $0x0  }
0x2b: {  	s19 =	sadd.s32 s1, s9;
	s17 =	simm.s32 @!p1 $0xD;
	[sflag:s21] =	ssyncadd.s32 $0xFFFFC000  }
0x2c: {  	[hbm4b:s19+s3] =	stream.linear.scatter [tilespmem:s15], [sflag:$0x8], $0x4000, $0x38;
	[tilespmem:$0x1DC00] =	vst v63  }
0x2d: {  	_ =	swait.ge @!p1 [sflag:s17], $0x4000  }
0x2e: {  	[sflag:s17] =	ssyncset.done @!p1 $0x0  }
0x2f: {  	s19 =	simm.s32 @!p0 $0x15C00;
	[sflag:s17] =	ssyncadd.s32 @!p1 $0xFFFFC000;
	s17 =	sadd.s32 @!p0 $0xFFFFFD80, s31  }
0x30: {  	[tilespmem:s19], [sflag:$0x6] =	stream.indirect.gather @!p0 [hbm4b:s2+s4], $0x80, s17, s4, $0xb8;
	[tilespmem:$0x1DC00] =	vst v63  }
0x31: {  	s17 =	simm.s32 @!p0 $0x2  }
0x32: {  	_ =	swait.ge @!p0 [sflag:s17], $0x4000  }
0x33: {  	s20 =	sadd.s32 @!p0 s1, s8;
	[sflag:s17] =	ssyncset.done @!p0 $0x0  }
0x34: {  	s5 =	simm.s32 @!p0 $0x5C00;
	[sflag:s17] =	ssyncadd.s32 @!p0 $0xFFFFC000;
	s17 =	simm.s32 @!p0 $0x0  }
0x35: {  	[hbm4b:s20+s17] =	stream.linear.scatter @!p0 [tilespmem:s5], [sflag:$0x9], $0x4000, $0x38;
	[tilespmem:$0x1DC00] =	vst v63  }
0x36: {  	s5 =	sadd.s32 @!p0 $0x2, s0  }
0x37: {  	p1 =	sgt.u32 @!p0 s5, $0x2A  }
0x38: {  	p1 =	por p1, p0  }
0x39: {  	s5 =	simm.s32 @!p1 $0xE  }
0x3a: {  	_ =	swait.ge @!p1 [sflag:s5], $0x4000  }
0x3b: {  	[sflag:s5] =	ssyncset.done @!p1 $0x0  }
0x3c: {  	s20 =	simm.s32 @!p0 $0x19C00;
	[sflag:s5] =	ssyncadd.s32 @!p1 $0xFFFFC000;
	s5 =	sadd.s32 @!p0 $0xFFFFFE00, s31  }
0x3d: {  	[tilespmem:s20], [sflag:$0x7] =	stream.indirect.gather @!p0 [hbm4b:s2+s4], $0x80, s5, s4, $0xb8;
	[tilespmem:$0x1DC00] =	vst v63  }
0x3e: {  	s5 =	simm.s32 @!p0 $0x3  }
0x3f: {  	_ =	swait.ge @!p0 [sflag:s5], $0x4000  }
0x40: {  	[sflag:s5] =	ssyncset.done @!p0 $0x0  }
0x41: {  	s13 =	simm.s32 @!p0 $0x9C00;
	[sflag:s5] =	ssyncadd.s32 @!p0 $0xFFFFC000;
	s5 =	sadd.s32 @!p0 s1, s6  }
0x42: {  	[hbm4b:s5+s17] =	stream.linear.scatter @!p0 [tilespmem:s13], [sflag:$0xA], $0x4000, $0x38;
	[tilespmem:$0x1DC00] =	vst v63  }
0x43: {  	s5 =	simm.s32 @!p0 $0x8  }
0x44: {  	_ =	swait.ge @!p0 [sflag:s5], $0x4000  }
0x45: {  	[sflag:s5] =	ssyncset.done @!p0 $0x0  }
0x46: {  	s13 =	simm.s32 @!p0 $0x1C00;
	[sflag:s5] =	ssyncadd.s32 @!p0 $0xFFFFC000;
	s5 =	sadd.s32 @!p0 $0xFFFFFE80, s31  }
0x47: {  	[tilespmem:s13], [sflag:$0x1] =	stream.indirect.gather @!p0 [hbm4b:s2+s4], $0x80, s5, s4, $0xb8;
	[tilespmem:$0x1DC00] =	vst v63  }
0x48: {  	s4 =	simm.s32 @!p0 $0x4  }
0x49: {  	p1 =	sgt.u32 @!p0 s16, $0x5;
	_ =	swait.ge @!p0 [sflag:s4], $0x4000  }
0x4a: {  	p1 =	por p1, p0;
	[sflag:s4] =	ssyncset.done @!p0 $0x0  }
0x4b: {  	s5 =	simm.s32 @!p0 $0xDC00;
	[sflag:s4] =	ssyncadd.s32 @!p0 $0xFFFFC000;
	s4 =	sadd.s32 @!p0 s1, s7  }
0x4c: {  	[hbm4b:s4+s17] =	stream.linear.scatter @!p0 [tilespmem:s5], [sflag:$0xB], $0x4000, $0x38;
	[tilespmem:$0x1DC00] =	vst v63  }
0x4d: {  	s4 =	simm.s32 @!p1 $0x9  }
0x4e: {  	_ =	swait.ge @!p1 [sflag:s4], $0x4000  }
0x4f: {  	s13 =	simm.s32 @!p1 $0x5C00;
	[sflag:s4] =	ssyncset.done @!p1 $0x0  }
0x50: {  	s5 =	simm.s32 @!p1 $0x80;
	[sflag:s4] =	ssyncadd.s32 @!p1 $0xFFFFC000;
	s4 =	sadd.s32 @!p1 $0xFFFFFF00, s31  }
0x51: {  	[tilespmem:s13], [sflag:$0x2] =	stream.indirect.gather @!p1 [hbm4b:s2+s5], $0x80, s4, s5, $0xb8;
	[tilespmem:$0x1DC00] =	vst v63  }
0x52: {  	s4 =	simm.s32 @!p0 $0x5  }
0x53: {  	_ =	swait.ge @!p0 [sflag:s4], $0x4000  }
0x54: {  	[sflag:s4] =	ssyncset.done @!p0 $0x0  }
0x55: {  	[sflag:s4] =	ssyncadd.s32 @!p0 $0xFFFFC000;
	s4 =	sadd.s32 @!p0 s1, s12  }
0x56: {  	[hbm4b:s4+s17] =	stream.linear.scatter @!p0 [tilespmem:s18], [sflag:$0xC], $0x4000, $0x38;
	[tilespmem:$0x1DC00] =	vst v63  }
0x57: {  	s4 =	simm.s32 @!p1 $0xA  }
0x58: {  	_ =	swait.ge @!p1 [sflag:s4], $0x4000  }
0x59: {  	[sflag:s4] =	ssyncset.done @!p1 $0x0  }
0x5a: {  	s13 =	simm.s32 @!p1 $0x9C00;
	[sflag:s4] =	ssyncadd.s32 @!p1 $0xFFFFC000;
	s4 =	sadd.s32 @!p1 $0xFFFFFF80, s31  }
0x5b: {  	[tilespmem:s13], [sflag:$0x3] =	stream.indirect.gather @!p1 [hbm4b:s2+s5], $0x80, s4, s5, $0xb8;
	[tilespmem:$0x1DC00] =	vst v63  }
0x5c: {  	s4 =	simm.s32 @!p0 $0x6  }
0x5d: {  	_ =	swait.ge @!p0 [sflag:s4], $0x4000  }
0x5e: {  	[sflag:s4] =	ssyncset.done @!p0 $0x0  }
0x5f: {  	[sflag:s4] =	ssyncadd.s32 @!p0 $0xFFFFC000;
	s4 =	sadd.s32 @!p0 s1, s11  }
0x60: {  	[hbm4b:s4+s17] =	stream.linear.scatter @!p0 [tilespmem:s19], [sflag:$0xD], $0x4000, $0x38;
	[tilespmem:$0x1DC00] =	vst v63  }
0x61: {  	s4 =	simm.s32 @!p1 $0xB  }
0x62: {  	_ =	swait.ge @!p1 [sflag:s4], $0x4000  }
0x63: {  	[sflag:s4] =	ssyncset.done @!p1 $0x0  }
0x64: {  	[sflag:s4] =	ssyncadd.s32 @!p1 $0xFFFFC000;
	s4 =	simm.s32 @!p1 $0xDC00  }
0x65: {  	[tilespmem:s4], [sflag:$0x4] =	stream.indirect.gather @!p1 [hbm4b:s2+s5], $0x80, s31, s5, $0xb8;
	[tilespmem:$0x1DC00] =	vst v63  }
0x66: {  	s4 =	simm.s32 @!p0 $0x7  }
0x67: {  	_ =	swait.ge @!p0 [sflag:s4], $0x4000  }
0x68: {  	[sflag:s4] =	ssyncset.done @!p0 $0x0  }
0x69: {  	[sflag:s4] =	ssyncadd.s32 @!p0 $0xFFFFC000;
	s4 =	sadd.s32 @!p0 s1, s10;
	s1 =	sadd.s32 @!p0 $0x3800, s1  }
0x6a: {  	p1 =	sne.s32 @!p0 s1, $0x1C000  }
0x6b: {  	p1 =	por p0, !p1  }
.Ltmp0:
0x6c: {  	_ = 	snop;
	(pc) =	sbr.rel @!p1 .LBB2_2-.Ltmp0, $3  }
0x6d: {  	_ =	sdelay $0x1  }
0x6e: {  	s0 =	sadd.s32 @!p0 $0x7, s0;
	s16 =	sadd.s32 @!p0 $0x1, s16;
	s31 =	sadd.s32 @!p0 $0x380, s31  }
0x6f: {  	[hbm4b:s4+s17] =	stream.linear.scatter @!p0 [tilespmem:s20], [sflag:$0xE], $0x4000, $0x38;
	[tilespmem:$0x1DC00] =	vst v63  }
0x70: {  	_ =	swait.ge [sflag:s22], $0x4000  }
0x71: {  	[sflag:s22] =	ssyncset.done $0x0  }
0x72: {  	[sflag:s22] =	ssyncadd.s32 $0xFFFFC000  }
0x73: {  	_ =	swait.ge [sflag:s23], $0x4000  }
0x74: {  	[sflag:s23] =	ssyncset.done $0x0  }
0x75: {  	[sflag:s23] =	ssyncadd.s32 $0xFFFFC000  }
0x76: {  	_ =	swait.ge [sflag:s24], $0x4000  }
0x77: {  	[sflag:s24] =	ssyncset.done $0x0  }
0x78: {  	[sflag:s24] =	ssyncadd.s32 $0xFFFFC000  }
0x79: {  	_ =	swait.ge [sflag:s25], $0x4000  }
0x7a: {  	[sflag:s25] =	ssyncset.done $0x0  }
0x7b: {  	[sflag:s25] =	ssyncadd.s32 $0xFFFFC000  }
0x7c: {  	_ =	swait.ge [sflag:s26], $0x4000  }
0x7d: {  	[sflag:s26] =	ssyncset.done $0x0  }
0x7e: {  	[sflag:s26] =	ssyncadd.s32 $0xFFFFC000  }
0x7f: {  	_ =	swait.ge [sflag:s28], $0x4000  }
0x80: {  	[sflag:s28] =	ssyncset.done $0x0  }
0x81: {  	[sflag:s28] =	ssyncadd.s32 $0xFFFFC000  }
0x82: {  	_ =	swait.ge [sflag:s29], $0x4000  }
0x83: {  	s30 =	sadd.s32 $0x1, s30;
	s0 =	rddreg [dreg:$0x5]  }
0x84: {  	p0 =	sne.s32 s30, s0  }
.Ltmp1:
0x85: {  	_ = 	snop;
	(pc) =	sbr.rel @p0 .LBB2_1-.Ltmp1, $3  }
0x86: {  	_ =	sdelay $0x1  }
0x87: {  	[sflag:s29] =	ssyncset.done $0x0  }
0x88: {  	[sflag:s29] =	ssyncadd.s32 $0xFFFFC000  }
0x89: {  	_ =	sfence.sel $0x180000  }
0x8a: {  	[bflag:$0x0] =	sbarrier.arrive $0xFFFF  }
0x8b: {  	_ =	strace $0x90000047  }
0x8c: {  	s0 =	stileid.u32;
	[bflag:$0x2] =	sbarrier.arrive $0xFFFF  }
0x8d: {  	p0 =	sne.s32 s0, $0x0;
	s0 =	rddreg [dreg:$0x3]  }
0x8e: {  	s0 =	sadd.s32 @!p0 $0x100000, s0  }
0x8f: {  	[sflag:s0] =	ssyncadd.tile.s32 @!p0 $0x1;
	_ =	shalt  }
.Lfunc_end2:
_tile_overlayer_lowered:
.L_overlay_start_2:
0x90: {  	(tag) =	ssettag $0x2  }
0x91: {  	s0 =	rddreg [dreg:$0x0];
	s2 =	stileid.u32  }
0x92: {  	s1 =	rddreg [dreg:$0x1];
	p0 =	sne.s32 s2, $0x0  }
0x93: {  	s3 =	rddreg [dreg:$0x2];
	[bflag:$0x3] =	sbarrier.arrive $0xFFFF;
	s2 =	simm.s32 @!p0 $0x1C0F  }
0x94: {  	[timem:s3], [sflag:s2] =	dma.local @!p0 [hbm:s0], s1  }
0x95: {  	s0 =	simm.s32 @!p0 $0xF  }
0x96: {  	_ =	swait.ge @!p0 [sflag:s0], s1  }
0x97: {  	s1 =	ssub.s32 @!p0 $0x0, s1;
	[sflag:s0] =	ssyncset.done @!p0 $0x0  }
0x98: {  	[sflag:s0] =	ssyncadd.s32 @!p0 s1  }
0x99: {  	[bflag:$0x3] =	sbarrier.arrive $0xFFFF  }
0x9a: {  	_ =	shalt  }

</sc_bundles>
